<compile_context>
chip_gen: v7x
topology: tpu7x:2x2x1
jax: 0.10.2.dev20260603
libtpu: 0.0.44.dev20260713+nightly
codegen_flags: <defaults>
</compile_context>

<pallas_src>
import functools

import jax
import jax.numpy as jnp
from jax import lax
from jax.experimental import pallas as pl
from jax.experimental.pallas import tpu as pltpu
from jax.experimental.pallas import tpu_sc as plsc

N = 10000
NP = 10240
E = 320000
D = 128
NC = 2
NS = 16
NW = NC * NS
EPT = E // NW
K = 80
CHUNKS = EPT // K
NB = 4
HNB = 5
RPS = NP // NS
ZC = 128
HW = 16

_vmesh = functools.partial(
    plsc.VectorSubcoreMesh, core_axis_name="c", subcore_axis_name="s")


def _sc_aggregate(src, dst, table, zeros128):

    @functools.partial(
        pl.kernel,
        out_type=jax.ShapeDtypeStruct((NC, NP, D), jnp.float32),
        mesh=_vmesh(),
        scratch_types=(
            [pltpu.VMEM((K,), jnp.int32)] * (2 * NB)
            + [pltpu.VMEM((K, D), jnp.float32)] * NB
            + [pltpu.VMEM_SHARED((NP, D), jnp.float32)]
            + [pltpu.SemaphoreType.DMA] * (3 * NB)
        ),
    )
    def k(src_hbm, dst_hbm, table_hbm, zeros_hbm, out_hbm, *scr):
        idx_s = scr[:NB]
        idx_d = scr[NB:2 * NB]
        rows = scr[2 * NB:3 * NB]
        acc = scr[3 * NB]
        sem_s = scr[3 * NB + 1:4 * NB + 1]
        sem_d = scr[4 * NB + 1:5 * NB + 1]
        sem_g = scr[5 * NB + 1:6 * NB + 1]
        cid = lax.axis_index("c")
        sid = lax.axis_index("s")
        wid = sid * NC + cid

        pltpu.sync_copy(zeros_hbm, rows[0])

        @pl.loop(0, RPS // K)
        def _(j):
            pltpu.sync_copy(rows[0], acc.at[pl.ds(sid * RPS + j * K, K)])

        plsc.subcore_barrier()

        def _load_idx(i, b):
            base = wid * EPT + i * K
            pltpu.sync_copy(src_hbm.at[pl.ds(base, K)], idx_s[b])
            pltpu.sync_copy(dst_hbm.at[pl.ds(base, K)], idx_d[b])

        _load_idx(0, 0)
        pltpu.async_copy(table_hbm.at[idx_s[0]], rows[0], sem_g[0])

        @pl.loop(0, (CHUNKS - 1) // 2)
        def _(o):
            for b in range(2):
                i = o * 2 + b
                nb = 1 - b
                _load_idx(i + 1, nb)
                pltpu.make_async_copy(
                    table_hbm.at[idx_s[b]], rows[b], sem_g[b]).wait()
                pltpu.async_copy(
                    table_hbm.at[idx_s[nb]], rows[nb], sem_g[nb])
                pltpu.sync_copy(rows[b], acc.at[idx_d[b]], add=True)

        lb = (CHUNKS - 1) % 2
        pltpu.make_async_copy(
            table_hbm.at[idx_s[lb]], rows[lb], sem_g[lb]).wait()
        pltpu.sync_copy(rows[lb], acc.at[idx_d[lb]], add=True)

        plsc.subcore_barrier()

        @pl.loop(0, RPS // K)
        def _(j):
            r0 = sid * RPS + j * K
            pltpu.sync_copy(acc.at[pl.ds(r0, K)], rows[0])
            pltpu.sync_copy(rows[0], out_hbm.at[cid, pl.ds(r0, K)])

    return k(src, dst, table, zeros128)


_TCB = 1000


def _dinv_of(degp_ref):
    deg = degp_ref[0, :, 0:1] + degp_ref[1, :, 0:1] + 1.0
    return lax.rsqrt(deg)


def _xs1_body(x_ref, degp_ref, w_ref, o_ref):
    dinv = _dinv_of(degp_ref)
    xw = jnp.dot(x_ref[...], w_ref[...], preferred_element_type=jnp.float32)
    o_ref[...] = xw * dinv


def _mid_body(p1_ref, degp_ref, xs1_ref, b1_ref, o_ref):
    dinv = _dinv_of(degp_ref)
    xs1 = xs1_ref[...]
    h = jnp.maximum(dinv * (p1_ref[0] + p1_ref[1] + xs1) + b1_ref[...], 0.0)
    o_ref[...] = dinv * h


def _fin_body(p2_ref, degp_ref, xs2_ref, wml_ref, bml_ref, o_ref):
    dinv = _dinv_of(degp_ref)
    agg = dinv * (p2_ref[0] + p2_ref[1] + xs2_ref[...])
    o_ref[...] = (
        jnp.dot(agg, wml_ref[...], preferred_element_type=jnp.float32)
        + bml_ref[...])


_ROWS = pl.BlockSpec((_TCB, D), lambda i: (i, 0))
_PARTS = pl.BlockSpec((NC, _TCB, D), lambda i: (0, i, 0))
_DEGP = pl.BlockSpec((NC, _TCB, D), lambda i: (0, i, 0))
_WMAT = pl.BlockSpec((D, D), lambda i: (0, 0))
_BVEC = pl.BlockSpec((1, D), lambda i: (0, 0))


def _tc_call(body, in_specs):
    return pl.pallas_call(
        body, grid=(N // _TCB,), in_specs=in_specs, out_specs=_ROWS,
        out_shape=jax.ShapeDtypeStruct((N, D), jnp.float32))


def kernel(x, edge_index, W1, b1, W_mu, b_mu, W_lv, b_lv):
    src = edge_index[0]
    dst = edge_index[1]

    ones_table = jnp.ones((N, D), jnp.float32)
    zeros128 = jnp.zeros((K, D), jnp.float32)
    wml = jnp.concatenate([W_mu, W_lv], axis=1)
    bml = jnp.concatenate([b_mu, b_lv])[None, :]
    b1_2d = b1[None, :]

    degp = _sc_aggregate(src, dst, ones_table, zeros128)
    xs1 = _tc_call(_xs1_body, [_ROWS, _DEGP, _WMAT])(x, degp, W1)
    p1 = _sc_aggregate(src, dst, xs1, zeros128)
    xs2 = _tc_call(_mid_body, [_PARTS, _DEGP, _ROWS, _BVEC])(
        p1, degp, xs1, b1_2d)
    p2 = _sc_aggregate(src, dst, xs2, zeros128)
    out = _tc_call(_fin_body, [_PARTS, _DEGP, _ROWS, _WMAT, _BVEC])(
        p2, degp, xs2, wml, bml)
    return out[:, :64], out[:, 64:]

# --- scband reference (transcript-rebuilt; emitter-appended) ---
"""Pipeline reference for scband-vgae-encoder-47863115547311 (READ-ONLY COPY).

The authoritative reference and input builder live on the scoring server;
editing this copy changes nothing except your own understanding.
"""

import jax, jax.numpy as jnp
import numpy as np

N = 10000
E = 320000
D_IN = 128
D_HID = 128  # 2 * out_channels
D_OUT = 64


def gcn_conv(x, W, b, src, dst, n):
    # GCNConv: D^-1/2 (A + I) D^-1/2 X W + b, with self-loops already appended to src/dst
    deg = jax.ops.segment_sum(jnp.ones_like(dst, dtype=x.dtype), dst, num_segments=n)
    dinv = jnp.where(deg > 0, deg ** -0.5, 0.0)
    norm = dinv[src] * dinv[dst]
    xw = x @ W
    msgs = xw[src] * norm[:, None]
    out = jax.ops.segment_sum(msgs, dst, num_segments=n)
    return out + b


def setup_inputs(seed: int = 0) -> dict:
    key = jax.random.key(seed)
    ks = jax.random.split(key, 8)
    x = jax.random.normal(ks[0], (N, D_IN), dtype=jnp.float32)
    edge_index = jax.random.randint(ks[1], (2, E), 0, N)
    W1 = jax.random.normal(ks[2], (D_IN, D_HID), dtype=jnp.float32) * 0.05
    b1 = jnp.zeros((D_HID,), dtype=jnp.float32)
    W_mu = jax.random.normal(ks[3], (D_HID, D_OUT), dtype=jnp.float32) * 0.05
    b_mu = jnp.zeros((D_OUT,), dtype=jnp.float32)
    W_lv = jax.random.normal(ks[4], (D_HID, D_OUT), dtype=jnp.float32) * 0.05
    b_lv = jnp.zeros((D_OUT,), dtype=jnp.float32)
    return {"x": x, "edge_index": edge_index, "W1": W1, "b1": b1,
            "W_mu": W_mu, "b_mu": b_mu, "W_lv": W_lv, "b_lv": b_lv}


def reference(x, edge_index, W1, b1, W_mu, b_mu, W_lv, b_lv):
    n = x.shape[0]
    loop = jnp.arange(n, dtype=edge_index.dtype)
    src = jnp.concatenate([edge_index[0], loop])
    dst = jnp.concatenate([edge_index[1], loop])
    h = jax.nn.relu(gcn_conv(x, W1, b1, src, dst, n))
    mu = gcn_conv(h, W_mu, b_mu, src, dst, n)
    logvar = gcn_conv(h, W_lv, b_lv, src, dst, n)
    return (mu, logvar)

if __name__ == "__main__":
    import jax
    _d = setup_inputs()
    print(jax.jit(kernel)(*tuple(_d.values())))

</pallas_src>

<mosaic_0001>
#map = affine_map<(d0, d1) -> (0)>
#map1 = affine_map<(d0, d1) -> (0, 0)>
#map2 = affine_map<(d0, d1) -> (0, 0, 0)>
module attributes {stable_mosaic.version = 14 : i64} {
  func.func @k(%arg0: i32, %arg1: i32, %arg2: memref<320000xi32, #tpu.memory_space<hbm>>, %arg3: memref<320000xi32, #tpu.memory_space<hbm>>, %arg4: memref<10000x128xf32, #tpu.memory_space<hbm>>, %arg5: memref<80x128xf32, #tpu.memory_space<hbm>>, %arg6: memref<2x10240x128xf32, #tpu.memory_space<hbm>>, %arg7: memref<80xi32, #tpu.memory_space<vmem>>, %arg8: memref<80xi32, #tpu.memory_space<vmem>>, %arg9: memref<80xi32, #tpu.memory_space<vmem>>, %arg10: memref<80xi32, #tpu.memory_space<vmem>>, %arg11: memref<80xi32, #tpu.memory_space<vmem>>, %arg12: memref<80xi32, #tpu.memory_space<vmem>>, %arg13: memref<80xi32, #tpu.memory_space<vmem>>, %arg14: memref<80xi32, #tpu.memory_space<vmem>>, %arg15: memref<80x128xf32, #tpu.memory_space<vmem>>, %arg16: memref<80x128xf32, #tpu.memory_space<vmem>>, %arg17: memref<80x128xf32, #tpu.memory_space<vmem>>, %arg18: memref<80x128xf32, #tpu.memory_space<vmem>>, %arg19: memref<10240x128xf32, #tpu.memory_space<vmem_shared>>, %arg20: memref<!tpu.dma_semaphore, #tpu.memory_space<semaphore_mem>>, %arg21: memref<!tpu.dma_semaphore, #tpu.memory_space<semaphore_mem>>, %arg22: memref<!tpu.dma_semaphore, #tpu.memory_space<semaphore_mem>>, %arg23: memref<!tpu.dma_semaphore, #tpu.memory_space<semaphore_mem>>, %arg24: memref<!tpu.dma_semaphore, #tpu.memory_space<semaphore_mem>>, %arg25: memref<!tpu.dma_semaphore, #tpu.memory_space<semaphore_mem>>, %arg26: memref<!tpu.dma_semaphore, #tpu.memory_space<semaphore_mem>>, %arg27: memref<!tpu.dma_semaphore, #tpu.memory_space<semaphore_mem>>, %arg28: memref<!tpu.dma_semaphore, #tpu.memory_space<semaphore_mem>>, %arg29: memref<!tpu.dma_semaphore, #tpu.memory_space<semaphore_mem>>, %arg30: memref<!tpu.dma_semaphore, #tpu.memory_space<semaphore_mem>>, %arg31: memref<!tpu.dma_semaphore, #tpu.memory_space<semaphore_mem>>) attributes {dimension_semantics = [#tpu.dimension_semantics<core_parallel>, #tpu.dimension_semantics<subcore_parallel>], iteration_bounds = array<i64: 2, 16>, scalar_prefetch = 0 : i64, scratch_operands = 25 : i64, tpu.core_type = #tpu.core_type<sc_vector_subcore>, window_params = [{transform_indices = #map}, {transform_indices = #map}, {transform_indices = #map1}, {transform_indices = #map1}, {transform_indices = #map2}]} {
    %mul3A = arith.constant 2 : i32
    %mul3A_0 = arith.muli %arg1, %mul3A : i32
    %add3A = arith.addi %mul3A_0, %arg0 : i32
    "tpu.region"() ({
      %run_scoped3A = tpu.sem_alloc : memref<!tpu.dma_semaphore, #tpu.memory_space<semaphore_mem>>
      tpu.enqueue_dma source(%arg5 : memref<80x128xf32, #tpu.memory_space<hbm>>) target(%arg15 : memref<80x128xf32, #tpu.memory_space<vmem>>) target_semaphore(%run_scoped3A : memref<!tpu.dma_semaphore, #tpu.memory_space<semaphore_mem>>)
      tpu.wait_dma2 semaphore(%run_scoped3A : memref<!tpu.dma_semaphore, #tpu.memory_space<semaphore_mem>>) src(%arg5 : memref<80x128xf32, #tpu.memory_space<hbm>>) dst(%arg15 : memref<80x128xf32, #tpu.memory_space<vmem>>)
      tpu.yield
    }) : () -> ()
    %scan3A = arith.constant 0 : i32
    %scan3A_1 = arith.constant 8 : i32
    %scan3A_2 = arith.addi %scan3A, %scan3A_1 : i32
    %scan3A_3 = arith.constant 1 : i32
    scf.for %scan3A_24 = %scan3A to %scan3A_2 step %scan3A_3  : i32 {
      %mul3A_25 = arith.constant 1 : i32
      %mul3A_26 = arith.muli %scan3A_24, %mul3A_25 : i32
      %add3A_27 = arith.constant 0 : i32
      %add3A_28 = arith.addi %add3A_27, %mul3A_26 : i32
      %mul3A_29 = arith.constant 640 : i32
      %mul3A_30 = arith.muli %arg1, %mul3A_29 : i32
      %mul3A_31 = arith.constant 80 : i32
      %mul3A_32 = arith.muli %add3A_28, %mul3A_31 : i32
      %add3A_33 = arith.addi %mul3A_30, %mul3A_32 : i32
      "tpu.region"() ({
        %run_scoped3A = tpu.sem_alloc : memref<!tpu.dma_semaphore, #tpu.memory_space<semaphore_mem>>
        %dma_start3A_34 = arith.constant 0 : i32
        %dma_start3A_35 = tpu.memref_slice %arg19[%add3A_33, %dma_start3A_34] : memref<10240x128xf32, #tpu.memory_space<vmem_shared>> -> memref<80x128xf32, #tpu.memory_space<vmem_shared>>
        %dma_start3A_36 = arith.constant 0 : i32
        %dma_start3A_37 = tpu.memref_slice %arg19[%add3A_33, %dma_start3A_36] : memref<10240x128xf32, #tpu.memory_space<vmem_shared>> -> memref<80x128xf32, #tpu.memory_space<vmem_shared>>
        tpu.enqueue_dma source(%arg15 : memref<80x128xf32, #tpu.memory_space<vmem>>) target(%dma_start3A_37 : memref<80x128xf32, #tpu.memory_space<vmem_shared>>) target_semaphore(%run_scoped3A : memref<!tpu.dma_semaphore, #tpu.memory_space<semaphore_mem>>)
        %dma_wait3A_38 = arith.constant 0 : i32
        %dma_wait3A_39 = tpu.memref_slice %arg19[%add3A_33, %dma_wait3A_38] : memref<10240x128xf32, #tpu.memory_space<vmem_shared>> -> memref<80x128xf32, #tpu.memory_space<vmem_shared>>
        %dma_wait3A_40 = arith.constant 0 : i32
        %dma_wait3A_41 = tpu.memref_slice %arg19[%add3A_33, %dma_wait3A_40] : memref<10240x128xf32, #tpu.memory_space<vmem_shared>> -> memref<80x128xf32, #tpu.memory_space<vmem_shared>>
        tpu.wait_dma2 semaphore(%run_scoped3A : memref<!tpu.dma_semaphore, #tpu.memory_space<semaphore_mem>>) src(%arg15 : memref<80x128xf32, #tpu.memory_space<vmem>>) dst(%dma_wait3A_41 : memref<80x128xf32, #tpu.memory_space<vmem_shared>>)
        tpu.yield
      }) : () -> ()
    }
    %scan3A_4 = arith.constant 8 : i32
    %barrier3A = arith.constant 0 : index
    tpu.barrier barrier_id(%barrier3A)
    %mul3A_5 = arith.constant 10000 : i32
    %mul3A_6 = arith.muli %add3A, %mul3A_5 : i32
    %add3A_7 = arith.constant 0 : i32
    %add3A_8 = arith.addi %mul3A_6, %add3A_7 : i32
    "tpu.region"() ({
      %run_scoped3A = tpu.sem_alloc : memref<!tpu.dma_semaphore, #tpu.memory_space<semaphore_mem>>
      %dma_start3A_24 = tpu.memref_slice %arg2[%add3A_8] : memref<320000xi32, #tpu.memory_space<hbm>> -> memref<80xi32, #tpu.memory_space<hbm>>
      %dma_start3A_25 = tpu.memref_slice %arg2[%add3A_8] : memref<320000xi32, #tpu.memory_space<hbm>> -> memref<80xi32, #tpu.memory_space<hbm>>
      tpu.enqueue_dma source(%dma_start3A_25 : memref<80xi32, #tpu.memory_space<hbm>>) target(%arg7 : memref<80xi32, #tpu.memory_space<vmem>>) target_semaphore(%run_scoped3A : memref<!tpu.dma_semaphore, #tpu.memory_space<semaphore_mem>>)
      %dma_wait3A_26 = tpu.memref_slice %arg2[%add3A_8] : memref<320000xi32, #tpu.memory_space<hbm>> -> memref<80xi32, #tpu.memory_space<hbm>>
      %dma_wait3A_27 = tpu.memref_slice %arg2[%add3A_8] : memref<320000xi32, #tpu.memory_space<hbm>> -> memref<80xi32, #tpu.memory_space<hbm>>
      tpu.wait_dma2 semaphore(%run_scoped3A : memref<!tpu.dma_semaphore, #tpu.memory_space<semaphore_mem>>) src(%dma_wait3A_27 : memref<80xi32, #tpu.memory_space<hbm>>) dst(%arg7 : memref<80xi32, #tpu.memory_space<vmem>>)
      tpu.yield
    }) : () -> ()
    "tpu.region"() ({
      %run_scoped3A = tpu.sem_alloc : memref<!tpu.dma_semaphore, #tpu.memory_space<semaphore_mem>>
      %dma_start3A_24 = tpu.memref_slice %arg3[%add3A_8] : memref<320000xi32, #tpu.memory_space<hbm>> -> memref<80xi32, #tpu.memory_space<hbm>>
      %dma_start3A_25 = tpu.memref_slice %arg3[%add3A_8] : memref<320000xi32, #tpu.memory_space<hbm>> -> memref<80xi32, #tpu.memory_space<hbm>>
      tpu.enqueue_dma source(%dma_start3A_25 : memref<80xi32, #tpu.memory_space<hbm>>) target(%arg11 : memref<80xi32, #tpu.memory_space<vmem>>) target_semaphore(%run_scoped3A : memref<!tpu.dma_semaphore, #tpu.memory_space<semaphore_mem>>)
      %dma_wait3A_26 = tpu.memref_slice %arg3[%add3A_8] : memref<320000xi32, #tpu.memory_space<hbm>> -> memref<80xi32, #tpu.memory_space<hbm>>
      %dma_wait3A_27 = tpu.memref_slice %arg3[%add3A_8] : memref<320000xi32, #tpu.memory_space<hbm>> -> memref<80xi32, #tpu.memory_space<hbm>>
      tpu.wait_dma2 semaphore(%run_scoped3A : memref<!tpu.dma_semaphore, #tpu.memory_space<semaphore_mem>>) src(%dma_wait3A_27 : memref<80xi32, #tpu.memory_space<hbm>>) dst(%arg11 : memref<80xi32, #tpu.memory_space<vmem>>)
      tpu.yield
    }) : () -> ()
    %dma_start3A = arith.constant 0 : i32
    %dma_start3A_9 = arith.constant 0 : i32
    %dma_start3A_10 = tpu.memref_slice %arg4[%dma_start3A, %dma_start3A_9] : memref<10000x128xf32, #tpu.memory_space<hbm>> -> memref<10000x128xf32, #tpu.memory_space<hbm>>
    tpu.enqueue_indirect_dma source(%dma_start3A_10 : memref<10000x128xf32, #tpu.memory_space<hbm>>) target(%arg15 : memref<80x128xf32, #tpu.memory_space<vmem>>) offsets(%arg7 : memref<80xi32, #tpu.memory_space<vmem>>) semaphore(%arg28 : memref<!tpu.dma_semaphore, #tpu.memory_space<semaphore_mem>>)
    %scan3A_11 = arith.constant 0 : i32
    %scan3A_12 = arith.constant 62 : i32
    %scan3A_13 = arith.addi %scan3A_11, %scan3A_12 : i32
    %scan3A_14 = arith.constant 1 : i32
    scf.for %scan3A_24 = %scan3A_11 to %scan3A_13 step %scan3A_14  : i32 {
      %mul3A_25 = arith.constant 1 : i32
      %mul3A_26 = arith.muli %scan3A_24, %mul3A_25 : i32
      %add3A_27 = arith.constant 0 : i32
      %add3A_28 = arith.addi %add3A_27, %mul3A_26 : i32
      %mul3A_29 = arith.constant 2 : i32
      %mul3A_30 = arith.muli %add3A_28, %mul3A_29 : i32
      %add3A_31 = arith.constant 0 : i32
      %add3A_32 = arith.addi %mul3A_30, %add3A_31 : i32
      %add3A_33 = arith.constant 1 : i32
      %add3A_34 = arith.addi %add3A_32, %add3A_33 : i32
      %mul3A_35 = arith.constant 10000 : i32
      %mul3A_36 = arith.muli %add3A, %mul3A_35 : i32
      %mul3A_37 = arith.constant 80 : i32
      %mul3A_38 = arith.muli %add3A_34, %mul3A_37 : i32
      %add3A_39 = arith.addi %mul3A_36, %mul3A_38 : i32
      "tpu.region"() ({
        %run_scoped3A = tpu.sem_alloc : memref<!tpu.dma_semaphore, #tpu.memory_space<semaphore_mem>>
        %dma_start3A_63 = tpu.memref_slice %arg2[%add3A_39] : memref<320000xi32, #tpu.memory_space<hbm>> -> memref<80xi32, #tpu.memory_space<hbm>>
        %dma_start3A_64 = tpu.memref_slice %arg2[%add3A_39] : memref<320000xi32, #tpu.memory_space<hbm>> -> memref<80xi32, #tpu.memory_space<hbm>>
        tpu.enqueue_dma source(%dma_start3A_64 : memref<80xi32, #tpu.memory_space<hbm>>) target(%arg8 : memref<80xi32, #tpu.memory_space<vmem>>) target_semaphore(%run_scoped3A : memref<!tpu.dma_semaphore, #tpu.memory_space<semaphore_mem>>)
        %dma_wait3A_65 = tpu.memref_slice %arg2[%add3A_39] : memref<320000xi32, #tpu.memory_space<hbm>> -> memref<80xi32, #tpu.memory_space<hbm>>
        %dma_wait3A_66 = tpu.memref_slice %arg2[%add3A_39] : memref<320000xi32, #tpu.memory_space<hbm>> -> memref<80xi32, #tpu.memory_space<hbm>>
        tpu.wait_dma2 semaphore(%run_scoped3A : memref<!tpu.dma_semaphore, #tpu.memory_space<semaphore_mem>>) src(%dma_wait3A_66 : memref<80xi32, #tpu.memory_space<hbm>>) dst(%arg8 : memref<80xi32, #tpu.memory_space<vmem>>)
        tpu.yield
      }) : () -> ()
      "tpu.region"() ({
        %run_scoped3A = tpu.sem_alloc : memref<!tpu.dma_semaphore, #tpu.memory_space<semaphore_mem>>
        %dma_start3A_63 = tpu.memref_slice %arg3[%add3A_39] : memref<320000xi32, #tpu.memory_space<hbm>> -> memref<80xi32, #tpu.memory_space<hbm>>
        %dma_start3A_64 = tpu.memref_slice %arg3[%add3A_39] : memref<320000xi32, #tpu.memory_space<hbm>> -> memref<80xi32, #tpu.memory_space<hbm>>
        tpu.enqueue_dma source(%dma_start3A_64 : memref<80xi32, #tpu.memory_space<hbm>>) target(%arg12 : memref<80xi32, #tpu.memory_space<vmem>>) target_semaphore(%run_scoped3A : memref<!tpu.dma_semaphore, #tpu.memory_space<semaphore_mem>>)
        %dma_wait3A_65 = tpu.memref_slice %arg3[%add3A_39] : memref<320000xi32, #tpu.memory_space<hbm>> -> memref<80xi32, #tpu.memory_space<hbm>>
        %dma_wait3A_66 = tpu.memref_slice %arg3[%add3A_39] : memref<320000xi32, #tpu.memory_space<hbm>> -> memref<80xi32, #tpu.memory_space<hbm>>
        tpu.wait_dma2 semaphore(%run_scoped3A : memref<!tpu.dma_semaphore, #tpu.memory_space<semaphore_mem>>) src(%dma_wait3A_66 : memref<80xi32, #tpu.memory_space<hbm>>) dst(%arg12 : memref<80xi32, #tpu.memory_space<vmem>>)
        tpu.yield
      }) : () -> ()
      %dma_wait3A_40 = arith.constant 0 : i32
      %dma_wait3A_41 = arith.constant 0 : i32
      %dma_wait3A_42 = tpu.memref_slice %arg4[%dma_wait3A_40, %dma_wait3A_41] : memref<10000x128xf32, #tpu.memory_space<hbm>> -> memref<10000x128xf32, #tpu.memory_space<hbm>>
      tpu.wait_indirect_dma semaphore(%arg28 : memref<!tpu.dma_semaphore, #tpu.memory_space<semaphore_mem>>) src(%dma_wait3A_42 : memref<10000x128xf32, #tpu.memory_space<hbm>>) dst(%arg15 : memref<80x128xf32, #tpu.memory_space<vmem>>)
      %dma_start3A_43 = arith.constant 0 : i32
      %dma_start3A_44 = arith.constant 0 : i32
      %dma_start3A_45 = tpu.memref_slice %arg4[%dma_start3A_43, %dma_start3A_44] : memref<10000x128xf32, #tpu.memory_space<hbm>> -> memref<10000x128xf32, #tpu.memory_space<hbm>>
      tpu.enqueue_indirect_dma source(%dma_start3A_45 : memref<10000x128xf32, #tpu.memory_space<hbm>>) target(%arg16 : memref<80x128xf32, #tpu.memory_space<vmem>>) offsets(%arg8 : memref<80xi32, #tpu.memory_space<vmem>>) semaphore(%arg29 : memref<!tpu.dma_semaphore, #tpu.memory_space<semaphore_mem>>)
      "tpu.region"() ({
        %run_scoped3A = tpu.sem_alloc : memref<!tpu.dma_semaphore, #tpu.memory_space<semaphore_mem>>
        %dma_start3A_63 = arith.constant 0 : i32
        %dma_start3A_64 = arith.constant 0 : i32
        %dma_start3A_65 = tpu.memref_slice %arg19[%dma_start3A_63, %dma_start3A_64] : memref<10240x128xf32, #tpu.memory_space<vmem_shared>> -> memref<10240x128xf32, #tpu.memory_space<vmem_shared>>
        tpu.enqueue_indirect_dma source(%arg15 : memref<80x128xf32, #tpu.memory_space<vmem>>) target(%dma_start3A_65 : memref<10240x128xf32, #tpu.memory_space<vmem_shared>>) offsets(%arg11 : memref<80xi32, #tpu.memory_space<vmem>>) semaphore(%run_scoped3A : memref<!tpu.dma_semaphore, #tpu.memory_space<semaphore_mem>>) {add = true}
        %dma_wait3A_66 = arith.constant 0 : i32
        %dma_wait3A_67 = arith.constant 0 : i32
        %dma_wait3A_68 = tpu.memref_slice %arg19[%dma_wait3A_66, %dma_wait3A_67] : memref<10240x128xf32, #tpu.memory_space<vmem_shared>> -> memref<10240x128xf32, #tpu.memory_space<vmem_shared>>
        tpu.wait_indirect_dma semaphore(%run_scoped3A : memref<!tpu.dma_semaphore, #tpu.memory_space<semaphore_mem>>) src(%arg15 : memref<80x128xf32, #tpu.memory_space<vmem>>) dst(%dma_wait3A_68 : memref<10240x128xf32, #tpu.memory_space<vmem_shared>>)
        tpu.yield
      }) : () -> ()
      %mul3A_46 = arith.constant 2 : i32
      %mul3A_47 = arith.muli %add3A_28, %mul3A_46 : i32
      %add3A_48 = arith.constant 1 : i32
      %add3A_49 = arith.addi %mul3A_47, %add3A_48 : i32
      %add3A_50 = arith.constant 1 : i32
      %add3A_51 = arith.addi %add3A_49, %add3A_50 : i32
      %mul3A_52 = arith.constant 10000 : i32
      %mul3A_53 = arith.muli %add3A, %mul3A_52 : i32
      %mul3A_54 = arith.constant 80 : i32
      %mul3A_55 = arith.muli %add3A_51, %mul3A_54 : i32
      %add3A_56 = arith.addi %mul3A_53, %mul3A_55 : i32
      "tpu.region"() ({
        %run_scoped3A = tpu.sem_alloc : memref<!tpu.dma_semaphore, #tpu.memory_space<semaphore_mem>>
        %dma_start3A_63 = tpu.memref_slice %arg2[%add3A_56] : memref<320000xi32, #tpu.memory_space<hbm>> -> memref<80xi32, #tpu.memory_space<hbm>>
        %dma_start3A_64 = tpu.memref_slice %arg2[%add3A_56] : memref<320000xi32, #tpu.memory_space<hbm>> -> memref<80xi32, #tpu.memory_space<hbm>>
        tpu.enqueue_dma source(%dma_start3A_64 : memref<80xi32, #tpu.memory_space<hbm>>) target(%arg7 : memref<80xi32, #tpu.memory_space<vmem>>) target_semaphore(%run_scoped3A : memref<!tpu.dma_semaphore, #tpu.memory_space<semaphore_mem>>)
        %dma_wait3A_65 = tpu.memref_slice %arg2[%add3A_56] : memref<320000xi32, #tpu.memory_space<hbm>> -> memref<80xi32, #tpu.memory_space<hbm>>
        %dma_wait3A_66 = tpu.memref_slice %arg2[%add3A_56] : memref<320000xi32, #tpu.memory_space<hbm>> -> memref<80xi32, #tpu.memory_space<hbm>>
        tpu.wait_dma2 semaphore(%run_scoped3A : memref<!tpu.dma_semaphore, #tpu.memory_space<semaphore_mem>>) src(%dma_wait3A_66 : memref<80xi32, #tpu.memory_space<hbm>>) dst(%arg7 : memref<80xi32, #tpu.memory_space<vmem>>)
        tpu.yield
      }) : () -> ()
      "tpu.region"() ({
        %run_scoped3A = tpu.sem_alloc : memref<!tpu.dma_semaphore, #tpu.memory_space<semaphore_mem>>
        %dma_start3A_63 = tpu.memref_slice %arg3[%add3A_56] : memref<320000xi32, #tpu.memory_space<hbm>> -> memref<80xi32, #tpu.memory_space<hbm>>
        %dma_start3A_64 = tpu.memref_slice %arg3[%add3A_56] : memref<320000xi32, #tpu.memory_space<hbm>> -> memref<80xi32, #tpu.memory_space<hbm>>
        tpu.enqueue_dma source(%dma_start3A_64 : memref<80xi32, #tpu.memory_space<hbm>>) target(%arg11 : memref<80xi32, #tpu.memory_space<vmem>>) target_semaphore(%run_scoped3A : memref<!tpu.dma_semaphore, #tpu.memory_space<semaphore_mem>>)
        %dma_wait3A_65 = tpu.memref_slice %arg3[%add3A_56] : memref<320000xi32, #tpu.memory_space<hbm>> -> memref<80xi32, #tpu.memory_space<hbm>>
        %dma_wait3A_66 = tpu.memref_slice %arg3[%add3A_56] : memref<320000xi32, #tpu.memory_space<hbm>> -> memref<80xi32, #tpu.memory_space<hbm>>
        tpu.wait_dma2 semaphore(%run_scoped3A : memref<!tpu.dma_semaphore, #tpu.memory_space<semaphore_mem>>) src(%dma_wait3A_66 : memref<80xi32, #tpu.memory_space<hbm>>) dst(%arg11 : memref<80xi32, #tpu.memory_space<vmem>>)
        tpu.yield
      }) : () -> ()
      %dma_wait3A_57 = arith.constant 0 : i32
      %dma_wait3A_58 = arith.constant 0 : i32
      %dma_wait3A_59 = tpu.memref_slice %arg4[%dma_wait3A_57, %dma_wait3A_58] : memref<10000x128xf32, #tpu.memory_space<hbm>> -> memref<10000x128xf32, #tpu.memory_space<hbm>>
      tpu.wait_indirect_dma semaphore(%arg29 : memref<!tpu.dma_semaphore, #tpu.memory_space<semaphore_mem>>) src(%dma_wait3A_59 : memref<10000x128xf32, #tpu.memory_space<hbm>>) dst(%arg16 : memref<80x128xf32, #tpu.memory_space<vmem>>)
      %dma_start3A_60 = arith.constant 0 : i32
      %dma_start3A_61 = arith.constant 0 : i32
      %dma_start3A_62 = tpu.memref_slice %arg4[%dma_start3A_60, %dma_start3A_61] : memref<10000x128xf32, #tpu.memory_space<hbm>> -> memref<10000x128xf32, #tpu.memory_space<hbm>>
      tpu.enqueue_indirect_dma source(%dma_start3A_62 : memref<10000x128xf32, #tpu.memory_space<hbm>>) target(%arg15 : memref<80x128xf32, #tpu.memory_space<vmem>>) offsets(%arg7 : memref<80xi32, #tpu.memory_space<vmem>>) semaphore(%arg28 : memref<!tpu.dma_semaphore, #tpu.memory_space<semaphore_mem>>)
      "tpu.region"() ({
        %run_scoped3A = tpu.sem_alloc : memref<!tpu.dma_semaphore, #tpu.memory_space<semaphore_mem>>
        %dma_start3A_63 = arith.constant 0 : i32
        %dma_start3A_64 = arith.constant 0 : i32
        %dma_start3A_65 = tpu.memref_slice %arg19[%dma_start3A_63, %dma_start3A_64] : memref<10240x128xf32, #tpu.memory_space<vmem_shared>> -> memref<10240x128xf32, #tpu.memory_space<vmem_shared>>
        tpu.enqueue_indirect_dma source(%arg16 : memref<80x128xf32, #tpu.memory_space<vmem>>) target(%dma_start3A_65 : memref<10240x128xf32, #tpu.memory_space<vmem_shared>>) offsets(%arg12 : memref<80xi32, #tpu.memory_space<vmem>>) semaphore(%run_scoped3A : memref<!tpu.dma_semaphore, #tpu.memory_space<semaphore_mem>>) {add = true}
        %dma_wait3A_66 = arith.constant 0 : i32
        %dma_wait3A_67 = arith.constant 0 : i32
        %dma_wait3A_68 = tpu.memref_slice %arg19[%dma_wait3A_66, %dma_wait3A_67] : memref<10240x128xf32, #tpu.memory_space<vmem_shared>> -> memref<10240x128xf32, #tpu.memory_space<vmem_shared>>
        tpu.wait_indirect_dma semaphore(%run_scoped3A : memref<!tpu.dma_semaphore, #tpu.memory_space<semaphore_mem>>) src(%arg16 : memref<80x128xf32, #tpu.memory_space<vmem>>) dst(%dma_wait3A_68 : memref<10240x128xf32, #tpu.memory_space<vmem_shared>>)
        tpu.yield
      }) : () -> ()
    }
    %scan3A_15 = arith.constant 62 : i32
    %dma_wait3A = arith.constant 0 : i32
    %dma_wait3A_16 = arith.constant 0 : i32
    %dma_wait3A_17 = tpu.memref_slice %arg4[%dma_wait3A, %dma_wait3A_16] : memref<10000x128xf32, #tpu.memory_space<hbm>> -> memref<10000x128xf32, #tpu.memory_space<hbm>>
    tpu.wait_indirect_dma semaphore(%arg28 : memref<!tpu.dma_semaphore, #tpu.memory_space<semaphore_mem>>) src(%dma_wait3A_17 : memref<10000x128xf32, #tpu.memory_space<hbm>>) dst(%arg15 : memref<80x128xf32, #tpu.memory_space<vmem>>)
    "tpu.region"() ({
      %run_scoped3A = tpu.sem_alloc : memref<!tpu.dma_semaphore, #tpu.memory_space<semaphore_mem>>
      %dma_start3A_24 = arith.constant 0 : i32
      %dma_start3A_25 = arith.constant 0 : i32
      %dma_start3A_26 = tpu.memref_slice %arg19[%dma_start3A_24, %dma_start3A_25] : memref<10240x128xf32, #tpu.memory_space<vmem_shared>> -> memref<10240x128xf32, #tpu.memory_space<vmem_shared>>
      tpu.enqueue_indirect_dma source(%arg15 : memref<80x128xf32, #tpu.memory_space<vmem>>) target(%dma_start3A_26 : memref<10240x128xf32, #tpu.memory_space<vmem_shared>>) offsets(%arg11 : memref<80xi32, #tpu.memory_space<vmem>>) semaphore(%run_scoped3A : memref<!tpu.dma_semaphore, #tpu.memory_space<semaphore_mem>>) {add = true}
      %dma_wait3A_27 = arith.constant 0 : i32
      %dma_wait3A_28 = arith.constant 0 : i32
      %dma_wait3A_29 = tpu.memref_slice %arg19[%dma_wait3A_27, %dma_wait3A_28] : memref<10240x128xf32, #tpu.memory_space<vmem_shared>> -> memref<10240x128xf32, #tpu.memory_space<vmem_shared>>
      tpu.wait_indirect_dma semaphore(%run_scoped3A : memref<!tpu.dma_semaphore, #tpu.memory_space<semaphore_mem>>) src(%arg15 : memref<80x128xf32, #tpu.memory_space<vmem>>) dst(%dma_wait3A_29 : memref<10240x128xf32, #tpu.memory_space<vmem_shared>>)
      tpu.yield
    }) : () -> ()
    %barrier3A_18 = arith.constant 0 : index
    tpu.barrier barrier_id(%barrier3A_18)
    %scan3A_19 = arith.constant 0 : i32
    %scan3A_20 = arith.constant 8 : i32
    %scan3A_21 = arith.addi %scan3A_19, %scan3A_20 : i32
    %scan3A_22 = arith.constant 1 : i32
    scf.for %scan3A_24 = %scan3A_19 to %scan3A_21 step %scan3A_22  : i32 {
      %mul3A_25 = arith.constant 1 : i32
      %mul3A_26 = arith.muli %scan3A_24, %mul3A_25 : i32
      %add3A_27 = arith.constant 0 : i32
      %add3A_28 = arith.addi %add3A_27, %mul3A_26 : i32
      %mul3A_29 = arith.constant 640 : i32
      %mul3A_30 = arith.muli %arg1, %mul3A_29 : i32
      %mul3A_31 = arith.constant 80 : i32
      %mul3A_32 = arith.muli %add3A_28, %mul3A_31 : i32
      %add3A_33 = arith.addi %mul3A_30, %mul3A_32 : i32
      "tpu.region"() ({
        %run_scoped3A = tpu.sem_alloc : memref<!tpu.dma_semaphore, #tpu.memory_space<semaphore_mem>>
        %dma_start3A_34 = arith.constant 0 : i32
        %dma_start3A_35 = tpu.memref_slice %arg19[%add3A_33, %dma_start3A_34] : memref<10240x128xf32, #tpu.memory_space<vmem_shared>> -> memref<80x128xf32, #tpu.memory_space<vmem_shared>>
        %dma_start3A_36 = arith.constant 0 : i32
        %dma_start3A_37 = tpu.memref_slice %arg19[%add3A_33, %dma_start3A_36] : memref<10240x128xf32, #tpu.memory_space<vmem_shared>> -> memref<80x128xf32, #tpu.memory_space<vmem_shared>>
        tpu.enqueue_dma source(%dma_start3A_37 : memref<80x128xf32, #tpu.memory_space<vmem_shared>>) target(%arg15 : memref<80x128xf32, #tpu.memory_space<vmem>>) target_semaphore(%run_scoped3A : memref<!tpu.dma_semaphore, #tpu.memory_space<semaphore_mem>>)
        %dma_wait3A_38 = arith.constant 0 : i32
        %dma_wait3A_39 = tpu.memref_slice %arg19[%add3A_33, %dma_wait3A_38] : memref<10240x128xf32, #tpu.memory_space<vmem_shared>> -> memref<80x128xf32, #tpu.memory_space<vmem_shared>>
        %dma_wait3A_40 = arith.constant 0 : i32
        %dma_wait3A_41 = tpu.memref_slice %arg19[%add3A_33, %dma_wait3A_40] : memref<10240x128xf32, #tpu.memory_space<vmem_shared>> -> memref<80x128xf32, #tpu.memory_space<vmem_shared>>
        tpu.wait_dma2 semaphore(%run_scoped3A : memref<!tpu.dma_semaphore, #tpu.memory_space<semaphore_mem>>) src(%dma_wait3A_41 : memref<80x128xf32, #tpu.memory_space<vmem_shared>>) dst(%arg15 : memref<80x128xf32, #tpu.memory_space<vmem>>)
        tpu.yield
      }) : () -> ()
      "tpu.region"() ({
        %run_scoped3A = tpu.sem_alloc : memref<!tpu.dma_semaphore, #tpu.memory_space<semaphore_mem>>
        %dma_start3A_34 = arith.constant 0 : i32
        %dma_start3A_35 = tpu.memref_slice %arg6[%arg0, %add3A_33, %dma_start3A_34] : memref<2x10240x128xf32, #tpu.memory_space<hbm>> -> memref<1x80x128xf32, #tpu.memory_space<hbm>>
        %dma_start3A_36 = tpu.memref_squeeze %dma_start3A_35 : memref<1x80x128xf32, #tpu.memory_space<hbm>> -> memref<80x128xf32, #tpu.memory_space<hbm>>
        %dma_start3A_37 = arith.constant 0 : i32
        %dma_start3A_38 = tpu.memref_slice %arg6[%arg0, %add3A_33, %dma_start3A_37] : memref<2x10240x128xf32, #tpu.memory_space<hbm>> -> memref<1x80x128xf32, #tpu.memory_space<hbm>>
        %dma_start3A_39 = tpu.memref_squeeze %dma_start3A_38 : memref<1x80x128xf32, #tpu.memory_space<hbm>> -> memref<80x128xf32, #tpu.memory_space<hbm>>
        tpu.enqueue_dma source(%arg15 : memref<80x128xf32, #tpu.memory_space<vmem>>) target(%dma_start3A_39 : memref<80x128xf32, #tpu.memory_space<hbm>>) target_semaphore(%run_scoped3A : memref<!tpu.dma_semaphore, #tpu.memory_space<semaphore_mem>>)
        %dma_wait3A_40 = arith.constant 0 : i32
        %dma_wait3A_41 = tpu.memref_slice %arg6[%arg0, %add3A_33, %dma_wait3A_40] : memref<2x10240x128xf32, #tpu.memory_space<hbm>> -> memref<1x80x128xf32, #tpu.memory_space<hbm>>
        %dma_wait3A_42 = tpu.memref_squeeze %dma_wait3A_41 : memref<1x80x128xf32, #tpu.memory_space<hbm>> -> memref<80x128xf32, #tpu.memory_space<hbm>>
        %dma_wait3A_43 = arith.constant 0 : i32
        %dma_wait3A_44 = tpu.memref_slice %arg6[%arg0, %add3A_33, %dma_wait3A_43] : memref<2x10240x128xf32, #tpu.memory_space<hbm>> -> memref<1x80x128xf32, #tpu.memory_space<hbm>>
        %dma_wait3A_45 = tpu.memref_squeeze %dma_wait3A_44 : memref<1x80x128xf32, #tpu.memory_space<hbm>> -> memref<80x128xf32, #tpu.memory_space<hbm>>
        tpu.wait_dma2 semaphore(%run_scoped3A : memref<!tpu.dma_semaphore, #tpu.memory_space<semaphore_mem>>) src(%arg15 : memref<80x128xf32, #tpu.memory_space<vmem>>) dst(%dma_wait3A_45 : memref<80x128xf32, #tpu.memory_space<hbm>>)
        tpu.yield
      }) : () -> ()
    }
    %scan3A_23 = arith.constant 8 : i32
    return
  }
}

#map = affine_map<(d0, d1) -> (0)>
#map1 = affine_map<(d0, d1) -> (0, 0)>
#map2 = affine_map<(d0, d1) -> (0, 0, 0)>
module attributes {stable_mosaic.version = 14 : i64} {
  func.func @k(%arg0: i32, %arg1: i32, %arg2: memref<320000xi32, #tpu.memory_space<hbm>>, %arg3: memref<320000xi32, #tpu.memory_space<hbm>>, %arg4: memref<10000x128xf32, #tpu.memory_space<hbm>>, %arg5: memref<80x128xf32, #tpu.memory_space<hbm>>, %arg6: memref<2x10240x128xf32, #tpu.memory_space<hbm>>, %arg7: memref<80xi32, #tpu.memory_space<vmem>>, %arg8: memref<80xi32, #tpu.memory_space<vmem>>, %arg9: memref<80xi32, #tpu.memory_space<vmem>>, %arg10: memref<80xi32, #tpu.memory_space<vmem>>, %arg11: memref<80xi32, #tpu.memory_space<vmem>>, %arg12: memref<80xi32, #tpu.memory_space<vmem>>, %arg13: memref<80xi32, #tpu.memory_space<vmem>>, %arg14: memref<80xi32, #tpu.memory_space<vmem>>, %arg15: memref<80x128xf32, #tpu.memory_space<vmem>>, %arg16: memref<80x128xf32, #tpu.memory_space<vmem>>, %arg17: memref<80x128xf32, #tpu.memory_space<vmem>>, %arg18: memref<80x128xf32, #tpu.memory_space<vmem>>, %arg19: memref<10240x128xf32, #tpu.memory_space<vmem_shared>>, %arg20: memref<!tpu.dma_semaphore, #tpu.memory_space<semaphore_mem>>, %arg21: memref<!tpu.dma_semaphore, #tpu.memory_space<semaphore_mem>>, %arg22: memref<!tpu.dma_semaphore, #tpu.memory_space<semaphore_mem>>, %arg23: memref<!tpu.dma_semaphore, #tpu.memory_space<semaphore_mem>>, %arg24: memref<!tpu.dma_semaphore, #tpu.memory_space<semaphore_mem>>, %arg25: memref<!tpu.dma_semaphore, #tpu.memory_space<semaphore_mem>>, %arg26: memref<!tpu.dma_semaphore, #tpu.memory_space<semaphore_mem>>, %arg27: memref<!tpu.dma_semaphore, #tpu.memory_space<semaphore_mem>>, %arg28: memref<!tpu.dma_semaphore, #tpu.memory_space<semaphore_mem>>, %arg29: memref<!tpu.dma_semaphore, #tpu.memory_space<semaphore_mem>>, %arg30: memref<!tpu.dma_semaphore, #tpu.memory_space<semaphore_mem>>, %arg31: memref<!tpu.dma_semaphore, #tpu.memory_space<semaphore_mem>>) attributes {dimension_semantics = [#tpu.dimension_semantics<core_parallel>, #tpu.dimension_semantics<subcore_parallel>], iteration_bounds = array<i64: 2, 16>, scalar_prefetch = 0 : i64, scratch_operands = 25 : i64, tpu.core_type = #tpu.core_type<sc_vector_subcore>, window_params = [{transform_indices = #map}, {transform_indices = #map}, {transform_indices = #map1}, {transform_indices = #map1}, {transform_indices = #map2}]} {
    %mul3A = arith.constant 2 : i32
    %mul3A_0 = arith.muli %arg1, %mul3A : i32
    %add3A = arith.addi %mul3A_0, %arg0 : i32
    "tpu.region"() ({
      %run_scoped3A = tpu.sem_alloc : memref<!tpu.dma_semaphore, #tpu.memory_space<semaphore_mem>>
      tpu.enqueue_dma source(%arg5 : memref<80x128xf32, #tpu.memory_space<hbm>>) target(%arg15 : memref<80x128xf32, #tpu.memory_space<vmem>>) target_semaphore(%run_scoped3A : memref<!tpu.dma_semaphore, #tpu.memory_space<semaphore_mem>>)
      tpu.wait_dma2 semaphore(%run_scoped3A : memref<!tpu.dma_semaphore, #tpu.memory_space<semaphore_mem>>) src(%arg5 : memref<80x128xf32, #tpu.memory_space<hbm>>) dst(%arg15 : memref<80x128xf32, #tpu.memory_space<vmem>>)
      tpu.yield
    }) : () -> ()
    %scan3A = arith.constant 0 : i32
    %scan3A_1 = arith.constant 8 : i32
    %scan3A_2 = arith.addi %scan3A, %scan3A_1 : i32
    %scan3A_3 = arith.constant 1 : i32
    scf.for %scan3A_24 = %scan3A to %scan3A_2 step %scan3A_3  : i32 {
      %mul3A_25 = arith.constant 1 : i32
      %mul3A_26 = arith.muli %scan3A_24, %mul3A_25 : i32
      %add3A_27 = arith.constant 0 : i32
      %add3A_28 = arith.addi %add3A_27, %mul3A_26 : i32
      %mul3A_29 = arith.constant 640 : i32
      %mul3A_30 = arith.muli %arg1, %mul3A_29 : i32
      %mul3A_31 = arith.constant 80 : i32
      %mul3A_32 = arith.muli %add3A_28, %mul3A_31 : i32
      %add3A_33 = arith.addi %mul3A_30, %mul3A_32 : i32
      "tpu.region"() ({
        %run_scoped3A = tpu.sem_alloc : memref<!tpu.dma_semaphore, #tpu.memory_space<semaphore_mem>>
        %dma_start3A_34 = arith.constant 0 : i32
        %dma_start3A_35 = tpu.memref_slice %arg19[%add3A_33, %dma_start3A_34] : memref<10240x128xf32, #tpu.memory_space<vmem_shared>> -> memref<80x128xf32, #tpu.memory_space<vmem_shared>>
        %dma_start3A_36 = arith.constant 0 : i32
        %dma_start3A_37 = tpu.memref_slice %arg19[%add3A_33, %dma_start3A_36] : memref<10240x128xf32, #tpu.memory_space<vmem_shared>> -> memref<80x128xf32, #tpu.memory_space<vmem_shared>>
        tpu.enqueue_dma source(%arg15 : memref<80x128xf32, #tpu.memory_space<vmem>>) target(%dma_start3A_37 : memref<80x128xf32, #tpu.memory_space<vmem_shared>>) target_semaphore(%run_scoped3A : memref<!tpu.dma_semaphore, #tpu.memory_space<semaphore_mem>>)
        %dma_wait3A_38 = arith.constant 0 : i32
        %dma_wait3A_39 = tpu.memref_slice %arg19[%add3A_33, %dma_wait3A_38] : memref<10240x128xf32, #tpu.memory_space<vmem_shared>> -> memref<80x128xf32, #tpu.memory_space<vmem_shared>>
        %dma_wait3A_40 = arith.constant 0 : i32
        %dma_wait3A_41 = tpu.memref_slice %arg19[%add3A_33, %dma_wait3A_40] : memref<10240x128xf32, #tpu.memory_space<vmem_shared>> -> memref<80x128xf32, #tpu.memory_space<vmem_shared>>
        tpu.wait_dma2 semaphore(%run_scoped3A : memref<!tpu.dma_semaphore, #tpu.memory_space<semaphore_mem>>) src(%arg15 : memref<80x128xf32, #tpu.memory_space<vmem>>) dst(%dma_wait3A_41 : memref<80x128xf32, #tpu.memory_space<vmem_shared>>)
        tpu.yield
      }) : () -> ()
    }
    %scan3A_4 = arith.constant 8 : i32
    %barrier3A = arith.constant 0 : index
    tpu.barrier barrier_id(%barrier3A)
    %mul3A_5 = arith.constant 10000 : i32
    %mul3A_6 = arith.muli %add3A, %mul3A_5 : i32
    %add3A_7 = arith.constant 0 : i32
    %add3A_8 = arith.addi %mul3A_6, %add3A_7 : i32
    "tpu.region"() ({
      %run_scoped3A = tpu.sem_alloc : memref<!tpu.dma_semaphore, #tpu.memory_space<semaphore_mem>>
      %dma_start3A_24 = tpu.memref_slice %arg2[%add3A_8] : memref<320000xi32, #tpu.memory_space<hbm>> -> memref<80xi32, #tpu.memory_space<hbm>>
      %dma_start3A_25 = tpu.memref_slice %arg2[%add3A_8] : memref<320000xi32, #tpu.memory_space<hbm>> -> memref<80xi32, #tpu.memory_space<hbm>>
      tpu.enqueue_dma source(%dma_start3A_25 : memref<80xi32, #tpu.memory_space<hbm>>) target(%arg7 : memref<80xi32, #tpu.memory_space<vmem>>) target_semaphore(%run_scoped3A : memref<!tpu.dma_semaphore, #tpu.memory_space<semaphore_mem>>)
      %dma_wait3A_26 = tpu.memref_slice %arg2[%add3A_8] : memref<320000xi32, #tpu.memory_space<hbm>> -> memref<80xi32, #tpu.memory_space<hbm>>
      %dma_wait3A_27 = tpu.memref_slice %arg2[%add3A_8] : memref<320000xi32, #tpu.memory_space<hbm>> -> memref<80xi32, #tpu.memory_space<hbm>>
      tpu.wait_dma2 semaphore(%run_scoped3A : memref<!tpu.dma_semaphore, #tpu.memory_space<semaphore_mem>>) src(%dma_wait3A_27 : memref<80xi32, #tpu.memory_space<hbm>>) dst(%arg7 : memref<80xi32, #tpu.memory_space<vmem>>)
      tpu.yield
    }) : () -> ()
    "tpu.region"() ({
      %run_scoped3A = tpu.sem_alloc : memref<!tpu.dma_semaphore, #tpu.memory_space<semaphore_mem>>
      %dma_start3A_24 = tpu.memref_slice %arg3[%add3A_8] : memref<320000xi32, #tpu.memory_space<hbm>> -> memref<80xi32, #tpu.memory_space<hbm>>
      %dma_start3A_25 = tpu.memref_slice %arg3[%add3A_8] : memref<320000xi32, #tpu.memory_space<hbm>> -> memref<80xi32, #tpu.memory_space<hbm>>
      tpu.enqueue_dma source(%dma_start3A_25 : memref<80xi32, #tpu.memory_space<hbm>>) target(%arg11 : memref<80xi32, #tpu.memory_space<vmem>>) target_semaphore(%run_scoped3A : memref<!tpu.dma_semaphore, #tpu.memory_space<semaphore_mem>>)
      %dma_wait3A_26 = tpu.memref_slice %arg3[%add3A_8] : memref<320000xi32, #tpu.memory_space<hbm>> -> memref<80xi32, #tpu.memory_space<hbm>>
      %dma_wait3A_27 = tpu.memref_slice %arg3[%add3A_8] : memref<320000xi32, #tpu.memory_space<hbm>> -> memref<80xi32, #tpu.memory_space<hbm>>
      tpu.wait_dma2 semaphore(%run_scoped3A : memref<!tpu.dma_semaphore, #tpu.memory_space<semaphore_mem>>) src(%dma_wait3A_27 : memref<80xi32, #tpu.memory_space<hbm>>) dst(%arg11 : memref<80xi32, #tpu.memory_space<vmem>>)
      tpu.yield
    }) : () -> ()
    %dma_start3A = arith.constant 0 : i32
    %dma_start3A_9 = arith.constant 0 : i32
    %dma_start3A_10 = tpu.memref_slice %arg4[%dma_start3A, %dma_start3A_9] : memref<10000x128xf32, #tpu.memory_space<hbm>> -> memref<10000x128xf32, #tpu.memory_space<hbm>>
    tpu.enqueue_indirect_dma source(%dma_start3A_10 : memref<10000x128xf32, #tpu.memory_space<hbm>>) target(%arg15 : memref<80x128xf32, #tpu.memory_space<vmem>>) offsets(%arg7 : memref<80xi32, #tpu.memory_space<vmem>>) semaphore(%arg28 : memref<!tpu.dma_semaphore, #tpu.memory_space<semaphore_mem>>)
    %scan3A_11 = arith.constant 0 : i32
    %scan3A_12 = arith.constant 62 : i32
    %scan3A_13 = arith.addi %scan3A_11, %scan3A_12 : i32
    %scan3A_14 = arith.constant 1 : i32
    scf.for %scan3A_24 = %scan3A_11 to %scan3A_13 step %scan3A_14  : i32 {
      %mul3A_25 = arith.constant 1 : i32
      %mul3A_26 = arith.muli %scan3A_24, %mul3A_25 : i32
      %add3A_27 = arith.constant 0 : i32
      %add3A_28 = arith.addi %add3A_27, %mul3A_26 : i32
      %mul3A_29 = arith.constant 2 : i32
      %mul3A_30 = arith.muli %add3A_28, %mul3A_29 : i32
      %add3A_31 = arith.constant 0 : i32
      %add3A_32 = arith.addi %mul3A_30, %add3A_31 : i32
      %add3A_33 = arith.constant 1 : i32
      %add3A_34 = arith.addi %add3A_32, %add3A_33 : i32
      %mul3A_35 = arith.constant 10000 : i32
      %mul3A_36 = arith.muli %add3A, %mul3A_35 : i32
      %mul3A_37 = arith.constant 80 : i32
      %mul3A_38 = arith.muli %add3A_34, %mul3A_37 : i32
      %add3A_39 = arith.addi %mul3A_36, %mul3A_38 : i32
      "tpu.region"() ({
        %run_scoped3A = tpu.sem_alloc : memref<!tpu.dma_semaphore, #tpu.memory_space<semaphore_mem>>
        %dma_start3A_63 = tpu.memref_slice %arg2[%add3A_39] : memref<320000xi32, #tpu.memory_space<hbm>> -> memref<80xi32, #tpu.memory_space<hbm>>
        %dma_start3A_64 = tpu.memref_slice %arg2[%add3A_39] : memref<320000xi32, #tpu.memory_space<hbm>> -> memref<80xi32, #tpu.memory_space<hbm>>
        tpu.enqueue_dma source(%dma_start3A_64 : memref<80xi32, #tpu.memory_space<hbm>>) target(%arg8 : memref<80xi32, #tpu.memory_space<vmem>>) target_semaphore(%run_scoped3A : memref<!tpu.dma_semaphore, #tpu.memory_space<semaphore_mem>>)
        %dma_wait3A_65 = tpu.memref_slice %arg2[%add3A_39] : memref<320000xi32, #tpu.memory_space<hbm>> -> memref<80xi32, #tpu.memory_space<hbm>>
        %dma_wait3A_66 = tpu.memref_slice %arg2[%add3A_39] : memref<320000xi32, #tpu.memory_space<hbm>> -> memref<80xi32, #tpu.memory_space<hbm>>
        tpu.wait_dma2 semaphore(%run_scoped3A : memref<!tpu.dma_semaphore, #tpu.memory_space<semaphore_mem>>) src(%dma_wait3A_66 : memref<80xi32, #tpu.memory_space<hbm>>) dst(%arg8 : memref<80xi32, #tpu.memory_space<vmem>>)
        tpu.yield
      }) : () -> ()
      "tpu.region"() ({
        %run_scoped3A = tpu.sem_alloc : memref<!tpu.dma_semaphore, #tpu.memory_space<semaphore_mem>>
        %dma_start3A_63 = tpu.memref_slice %arg3[%add3A_39] : memref<320000xi32, #tpu.memory_space<hbm>> -> memref<80xi32, #tpu.memory_space<hbm>>
        %dma_start3A_64 = tpu.memref_slice %arg3[%add3A_39] : memref<320000xi32, #tpu.memory_space<hbm>> -> memref<80xi32, #tpu.memory_space<hbm>>
        tpu.enqueue_dma source(%dma_start3A_64 : memref<80xi32, #tpu.memory_space<hbm>>) target(%arg12 : memref<80xi32, #tpu.memory_space<vmem>>) target_semaphore(%run_scoped3A : memref<!tpu.dma_semaphore, #tpu.memory_space<semaphore_mem>>)
        %dma_wait3A_65 = tpu.memref_slice %arg3[%add3A_39] : memref<320000xi32, #tpu.memory_space<hbm>> -> memref<80xi32, #tpu.memory_space<hbm>>
        %dma_wait3A_66 = tpu.memref_slice %arg3[%add3A_39] : memref<320000xi32, #tpu.memory_space<hbm>> -> memref<80xi32, #tpu.memory_space<hbm>>
        tpu.wait_dma2 semaphore(%run_scoped3A : memref<!tpu.dma_semaphore, #tpu.memory_space<semaphore_mem>>) src(%dma_wait3A_66 : memref<80xi32, #tpu.memory_space<hbm>>) dst(%arg12 : memref<80xi32, #tpu.memory_space<vmem>>)
        tpu.yield
      }) : () -> ()
      %dma_wait3A_40 = arith.constant 0 : i32
      %dma_wait3A_41 = arith.constant 0 : i32
      %dma_wait3A_42 = tpu.memref_slice %arg4[%dma_wait3A_40, %dma_wait3A_41] : memref<10000x128xf32, #tpu.memory_space<hbm>> -> memref<10000x128xf32, #tpu.memory_space<hbm>>
      tpu.wait_indirect_dma semaphore(%arg28 : memref<!tpu.dma_semaphore, #tpu.memory_space<semaphore_mem>>) src(%dma_wait3A_42 : memref<10000x128xf32, #tpu.memory_space<hbm>>) dst(%arg15 : memref<80x128xf32, #tpu.memory_space<vmem>>)
      %dma_start3A_43 = arith.constant 0 : i32
      %dma_start3A_44 = arith.constant 0 : i32
      %dma_start3A_45 = tpu.memref_slice %arg4[%dma_start3A_43, %dma_start3A_44] : memref<10000x128xf32, #tpu.memory_space<hbm>> -> memref<10000x128xf32, #tpu.memory_space<hbm>>
      tpu.enqueue_indirect_dma source(%dma_start3A_45 : memref<10000x128xf32, #tpu.memory_space<hbm>>) target(%arg16 : memref<80x128xf32, #tpu.memory_space<vmem>>) offsets(%arg8 : memref<80xi32, #tpu.memory_space<vmem>>) semaphore(%arg29 : memref<!tpu.dma_semaphore, #tpu.memory_space<semaphore_mem>>)
      "tpu.region"() ({
        %run_scoped3A = tpu.sem_alloc : memref<!tpu.dma_semaphore, #tpu.memory_space<semaphore_mem>>
        %dma_start3A_63 = arith.constant 0 : i32
        %dma_start3A_64 = arith.constant 0 : i32
        %dma_start3A_65 = tpu.memref_slice %arg19[%dma_start3A_63, %dma_start3A_64] : memref<10240x128xf32, #tpu.memory_space<vmem_shared>> -> memref<10240x128xf32, #tpu.memory_space<vmem_shared>>
        tpu.enqueue_indirect_dma source(%arg15 : memref<80x128xf32, #tpu.memory_space<vmem>>) target(%dma_start3A_65 : memref<10240x128xf32, #tpu.memory_space<vmem_shared>>) offsets(%arg11 : memref<80xi32, #tpu.memory_space<vmem>>) semaphore(%run_scoped3A : memref<!tpu.dma_semaphore, #tpu.memory_space<semaphore_mem>>) {add = true}
        %dma_wait3A_66 = arith.constant 0 : i32
        %dma_wait3A_67 = arith.constant 0 : i32
        %dma_wait3A_68 = tpu.memref_slice %arg19[%dma_wait3A_66, %dma_wait3A_67] : memref<10240x128xf32, #tpu.memory_space<vmem_shared>> -> memref<10240x128xf32, #tpu.memory_space<vmem_shared>>
        tpu.wait_indirect_dma semaphore(%run_scoped3A : memref<!tpu.dma_semaphore, #tpu.memory_space<semaphore_mem>>) src(%arg15 : memref<80x128xf32, #tpu.memory_space<vmem>>) dst(%dma_wait3A_68 : memref<10240x128xf32, #tpu.memory_space<vmem_shared>>)
        tpu.yield
      }) : () -> ()
      %mul3A_46 = arith.constant 2 : i32
      %mul3A_47 = arith.muli %add3A_28, %mul3A_46 : i32
      %add3A_48 = arith.constant 1 : i32
      %add3A_49 = arith.addi %mul3A_47, %add3A_48 : i32
      %add3A_50 = arith.constant 1 : i32
      %add3A_51 = arith.addi %add3A_49, %add3A_50 : i32
      %mul3A_52 = arith.constant 10000 : i32
      %mul3A_53 = arith.muli %add3A, %mul3A_52 : i32
      %mul3A_54 = arith.constant 80 : i32
      %mul3A_55 = arith.muli %add3A_51, %mul3A_54 : i32
      %add3A_56 = arith.addi %mul3A_53, %mul3A_55 : i32
      "tpu.region"() ({
        %run_scoped3A = tpu.sem_alloc : memref<!tpu.dma_semaphore, #tpu.memory_space<semaphore_mem>>
        %dma_start3A_63 = tpu.memref_slice %arg2[%add3A_56] : memref<320000xi32, #tpu.memory_space<hbm>> -> memref<80xi32, #tpu.memory_space<hbm>>
        %dma_start3A_64 = tpu.memref_slice %arg2[%add3A_56] : memref<320000xi32, #tpu.memory_space<hbm>> -> memref<80xi32, #tpu.memory_space<hbm>>
        tpu.enqueue_dma source(%dma_start3A_64 : memref<80xi32, #tpu.memory_space<hbm>>) target(%arg7 : memref<80xi32, #tpu.memory_space<vmem>>) target_semaphore(%run_scoped3A : memref<!tpu.dma_semaphore, #tpu.memory_space<semaphore_mem>>)
        %dma_wait3A_65 = tpu.memref_slice %arg2[%add3A_56] : memref<320000xi32, #tpu.memory_space<hbm>> -> memref<80xi32, #tpu.memory_space<hbm>>
        %dma_wait3A_66 = tpu.memref_slice %arg2[%add3A_56] : memref<320000xi32, #tpu.memory_space<hbm>> -> memref<80xi32, #tpu.memory_space<hbm>>
        tpu.wait_dma2 semaphore(%run_scoped3A : memref<!tpu.dma_semaphore, #tpu.memory_space<semaphore_mem>>) src(%dma_wait3A_66 : memref<80xi32, #tpu.memory_space<hbm>>) dst(%arg7 : memref<80xi32, #tpu.memory_space<vmem>>)
        tpu.yield
      }) : () -> ()
      "tpu.region"() ({
        %run_scoped3A = tpu.sem_alloc : memref<!tpu.dma_semaphore, #tpu.memory_space<semaphore_mem>>
        %dma_start3A_63 = tpu.memref_slice %arg3[%add3A_56] : memref<320000xi32, #tpu.memory_space<hbm>> -> memref<80xi32, #tpu.memory_space<hbm>>
        %dma_start3A_64 = tpu.memref_slice %arg3[%add3A_56] : memref<320000xi32, #tpu.memory_space<hbm>> -> memref<80xi32, #tpu.memory_space<hbm>>
        tpu.enqueue_dma source(%dma_start3A_64 : memref<80xi32, #tpu.memory_space<hbm>>) target(%arg11 : memref<80xi32, #tpu.memory_space<vmem>>) target_semaphore(%run_scoped3A : memref<!tpu.dma_semaphore, #tpu.memory_space<semaphore_mem>>)
        %dma_wait3A_65 = tpu.memref_slice %arg3[%add3A_56] : memref<320000xi32, #tpu.memory_space<hbm>> -> memref<80xi32, #tpu.memory_space<hbm>>
        %dma_wait3A_66 = tpu.memref_slice %arg3[%add3A_56] : memref<320000xi32, #tpu.memory_space<hbm>> -> memref<80xi32, #tpu.memory_space<hbm>>
        tpu.wait_dma2 semaphore(%run_scoped3A : memref<!tpu.dma_semaphore, #tpu.memory_space<semaphore_mem>>) src(%dma_wait3A_66 : memref<80xi32, #tpu.memory_space<hbm>>) dst(%arg11 : memref<80xi32, #tpu.memory_space<vmem>>)
        tpu.yield
      }) : () -> ()
      %dma_wait3A_57 = arith.constant 0 : i32
      %dma_wait3A_58 = arith.constant 0 : i32
      %dma_wait3A_59 = tpu.memref_slice %arg4[%dma_wait3A_57, %dma_wait3A_58] : memref<10000x128xf32, #tpu.memory_space<hbm>> -> memref<10000x128xf32, #tpu.memory_space<hbm>>
      tpu.wait_indirect_dma semaphore(%arg29 : memref<!tpu.dma_semaphore, #tpu.memory_space<semaphore_mem>>) src(%dma_wait3A_59 : memref<10000x128xf32, #tpu.memory_space<hbm>>) dst(%arg16 : memref<80x128xf32, #tpu.memory_space<vmem>>)
      %dma_start3A_60 = arith.constant 0 : i32
      %dma_start3A_61 = arith.constant 0 : i32
      %dma_start3A_62 = tpu.memref_slice %arg4[%dma_start3A_60, %dma_start3A_61] : memref<10000x128xf32, #tpu.memory_space<hbm>> -> memref<10000x128xf32, #tpu.memory_space<hbm>>
      tpu.enqueue_indirect_dma source(%dma_start3A_62 : memref<10000x128xf32, #tpu.memory_space<hbm>>) target(%arg15 : memref<80x128xf32, #tpu.memory_space<vmem>>) offsets(%arg7 : memref<80xi32, #tpu.memory_space<vmem>>) semaphore(%arg28 : memref<!tpu.dma_semaphore, #tpu.memory_space<semaphore_mem>>)
      "tpu.region"() ({
        %run_scoped3A = tpu.sem_alloc : memref<!tpu.dma_semaphore, #tpu.memory_space<semaphore_mem>>
        %dma_start3A_63 = arith.constant 0 : i32
        %dma_start3A_64 = arith.constant 0 : i32
        %dma_start3A_65 = tpu.memref_slice %arg19[%dma_start3A_63, %dma_start3A_64] : memref<10240x128xf32, #tpu.memory_space<vmem_shared>> -> memref<10240x128xf32, #tpu.memory_space<vmem_shared>>
        tpu.enqueue_indirect_dma source(%arg16 : memref<80x128xf32, #tpu.memory_space<vmem>>) target(%dma_start3A_65 : memref<10240x128xf32, #tpu.memory_space<vmem_shared>>) offsets(%arg12 : memref<80xi32, #tpu.memory_space<vmem>>) semaphore(%run_scoped3A : memref<!tpu.dma_semaphore, #tpu.memory_space<semaphore_mem>>) {add = true}
        %dma_wait3A_66 = arith.constant 0 : i32
        %dma_wait3A_67 = arith.constant 0 : i32
        %dma_wait3A_68 = tpu.memref_slice %arg19[%dma_wait3A_66, %dma_wait3A_67] : memref<10240x128xf32, #tpu.memory_space<vmem_shared>> -> memref<10240x128xf32, #tpu.memory_space<vmem_shared>>
        tpu.wait_indirect_dma semaphore(%run_scoped3A : memref<!tpu.dma_semaphore, #tpu.memory_space<semaphore_mem>>) src(%arg16 : memref<80x128xf32, #tpu.memory_space<vmem>>) dst(%dma_wait3A_68 : memref<10240x128xf32, #tpu.memory_space<vmem_shared>>)
        tpu.yield
      }) : () -> ()
    }
    %scan3A_15 = arith.constant 62 : i32
    %dma_wait3A = arith.constant 0 : i32
    %dma_wait3A_16 = arith.constant 0 : i32
    %dma_wait3A_17 = tpu.memref_slice %arg4[%dma_wait3A, %dma_wait3A_16] : memref<10000x128xf32, #tpu.memory_space<hbm>> -> memref<10000x128xf32, #tpu.memory_space<hbm>>
    tpu.wait_indirect_dma semaphore(%arg28 : memref<!tpu.dma_semaphore, #tpu.memory_space<semaphore_mem>>) src(%dma_wait3A_17 : memref<10000x128xf32, #tpu.memory_space<hbm>>) dst(%arg15 : memref<80x128xf32, #tpu.memory_space<vmem>>)
    "tpu.region"() ({
      %run_scoped3A = tpu.sem_alloc : memref<!tpu.dma_semaphore, #tpu.memory_space<semaphore_mem>>
      %dma_start3A_24 = arith.constant 0 : i32
      %dma_start3A_25 = arith.constant 0 : i32
      %dma_start3A_26 = tpu.memref_slice %arg19[%dma_start3A_24, %dma_start3A_25] : memref<10240x128xf32, #tpu.memory_space<vmem_shared>> -> memref<10240x128xf32, #tpu.memory_space<vmem_shared>>
      tpu.enqueue_indirect_dma source(%arg15 : memref<80x128xf32, #tpu.memory_space<vmem>>) target(%dma_start3A_26 : memref<10240x128xf32, #tpu.memory_space<vmem_shared>>) offsets(%arg11 : memref<80xi32, #tpu.memory_space<vmem>>) semaphore(%run_scoped3A : memref<!tpu.dma_semaphore, #tpu.memory_space<semaphore_mem>>) {add = true}
      %dma_wait3A_27 = arith.constant 0 : i32
      %dma_wait3A_28 = arith.constant 0 : i32
      %dma_wait3A_29 = tpu.memref_slice %arg19[%dma_wait3A_27, %dma_wait3A_28] : memref<10240x128xf32, #tpu.memory_space<vmem_shared>> -> memref<10240x128xf32, #tpu.memory_space<vmem_shared>>
      tpu.wait_indirect_dma semaphore(%run_scoped3A : memref<!tpu.dma_semaphore, #tpu.memory_space<semaphore_mem>>) src(%arg15 : memref<80x128xf32, #tpu.memory_space<vmem>>) dst(%dma_wait3A_29 : memref<10240x128xf32, #tpu.memory_space<vmem_shared>>)
      tpu.yield
    }) : () -> ()
    %barrier3A_18 = arith.constant 0 : index
    tpu.barrier barrier_id(%barrier3A_18)
    %scan3A_19 = arith.constant 0 : i32
    %scan3A_20 = arith.constant 8 : i32
    %scan3A_21 = arith.addi %scan3A_19, %scan3A_20 : i32
    %scan3A_22 = arith.constant 1 : i32
    scf.for %scan3A_24 = %scan3A_19 to %scan3A_21 step %scan3A_22  : i32 {
      %mul3A_25 = arith.constant 1 : i32
      %mul3A_26 = arith.muli %scan3A_24, %mul3A_25 : i32
      %add3A_27 = arith.constant 0 : i32
      %add3A_28 = arith.addi %add3A_27, %mul3A_26 : i32
      %mul3A_29 = arith.constant 640 : i32
      %mul3A_30 = arith.muli %arg1, %mul3A_29 : i32
      %mul3A_31 = arith.constant 80 : i32
      %mul3A_32 = arith.muli %add3A_28, %mul3A_31 : i32
      %add3A_33 = arith.addi %mul3A_30, %mul3A_32 : i32
      "tpu.region"() ({
        %run_scoped3A = tpu.sem_alloc : memref<!tpu.dma_semaphore, #tpu.memory_space<semaphore_mem>>
        %dma_start3A_34 = arith.constant 0 : i32
        %dma_start3A_35 = tpu.memref_slice %arg19[%add3A_33, %dma_start3A_34] : memref<10240x128xf32, #tpu.memory_space<vmem_shared>> -> memref<80x128xf32, #tpu.memory_space<vmem_shared>>
        %dma_start3A_36 = arith.constant 0 : i32
        %dma_start3A_37 = tpu.memref_slice %arg19[%add3A_33, %dma_start3A_36] : memref<10240x128xf32, #tpu.memory_space<vmem_shared>> -> memref<80x128xf32, #tpu.memory_space<vmem_shared>>
        tpu.enqueue_dma source(%dma_start3A_37 : memref<80x128xf32, #tpu.memory_space<vmem_shared>>) target(%arg15 : memref<80x128xf32, #tpu.memory_space<vmem>>) target_semaphore(%run_scoped3A : memref<!tpu.dma_semaphore, #tpu.memory_space<semaphore_mem>>)
        %dma_wait3A_38 = arith.constant 0 : i32
        %dma_wait3A_39 = tpu.memref_slice %arg19[%add3A_33, %dma_wait3A_38] : memref<10240x128xf32, #tpu.memory_space<vmem_shared>> -> memref<80x128xf32, #tpu.memory_space<vmem_shared>>
        %dma_wait3A_40 = arith.constant 0 : i32
        %dma_wait3A_41 = tpu.memref_slice %arg19[%add3A_33, %dma_wait3A_40] : memref<10240x128xf32, #tpu.memory_space<vmem_shared>> -> memref<80x128xf32, #tpu.memory_space<vmem_shared>>
        tpu.wait_dma2 semaphore(%run_scoped3A : memref<!tpu.dma_semaphore, #tpu.memory_space<semaphore_mem>>) src(%dma_wait3A_41 : memref<80x128xf32, #tpu.memory_space<vmem_shared>>) dst(%arg15 : memref<80x128xf32, #tpu.memory_space<vmem>>)
        tpu.yield
      }) : () -> ()
      "tpu.region"() ({
        %run_scoped3A = tpu.sem_alloc : memref<!tpu.dma_semaphore, #tpu.memory_space<semaphore_mem>>
        %dma_start3A_34 = arith.constant 0 : i32
        %dma_start3A_35 = tpu.memref_slice %arg6[%arg0, %add3A_33, %dma_start3A_34] : memref<2x10240x128xf32, #tpu.memory_space<hbm>> -> memref<1x80x128xf32, #tpu.memory_space<hbm>>
        %dma_start3A_36 = tpu.memref_squeeze %dma_start3A_35 : memref<1x80x128xf32, #tpu.memory_space<hbm>> -> memref<80x128xf32, #tpu.memory_space<hbm>>
        %dma_start3A_37 = arith.constant 0 : i32
        %dma_start3A_38 = tpu.memref_slice %arg6[%arg0, %add3A_33, %dma_start3A_37] : memref<2x10240x128xf32, #tpu.memory_space<hbm>> -> memref<1x80x128xf32, #tpu.memory_space<hbm>>
        %dma_start3A_39 = tpu.memref_squeeze %dma_start3A_38 : memref<1x80x128xf32, #tpu.memory_space<hbm>> -> memref<80x128xf32, #tpu.memory_space<hbm>>
        tpu.enqueue_dma source(%arg15 : memref<80x128xf32, #tpu.memory_space<vmem>>) target(%dma_start3A_39 : memref<80x128xf32, #tpu.memory_space<hbm>>) target_semaphore(%run_scoped3A : memref<!tpu.dma_semaphore, #tpu.memory_space<semaphore_mem>>)
        %dma_wait3A_40 = arith.constant 0 : i32
        %dma_wait3A_41 = tpu.memref_slice %arg6[%arg0, %add3A_33, %dma_wait3A_40] : memref<2x10240x128xf32, #tpu.memory_space<hbm>> -> memref<1x80x128xf32, #tpu.memory_space<hbm>>
        %dma_wait3A_42 = tpu.memref_squeeze %dma_wait3A_41 : memref<1x80x128xf32, #tpu.memory_space<hbm>> -> memref<80x128xf32, #tpu.memory_space<hbm>>
        %dma_wait3A_43 = arith.constant 0 : i32
        %dma_wait3A_44 = tpu.memref_slice %arg6[%arg0, %add3A_33, %dma_wait3A_43] : memref<2x10240x128xf32, #tpu.memory_space<hbm>> -> memref<1x80x128xf32, #tpu.memory_space<hbm>>
        %dma_wait3A_45 = tpu.memref_squeeze %dma_wait3A_44 : memref<1x80x128xf32, #tpu.memory_space<hbm>> -> memref<80x128xf32, #tpu.memory_space<hbm>>
        tpu.wait_dma2 semaphore(%run_scoped3A : memref<!tpu.dma_semaphore, #tpu.memory_space<semaphore_mem>>) src(%arg15 : memref<80x128xf32, #tpu.memory_space<vmem>>) dst(%dma_wait3A_45 : memref<80x128xf32, #tpu.memory_space<hbm>>)
        tpu.yield
      }) : () -> ()
    }
    %scan3A_23 = arith.constant 8 : i32
    return
  }
}

#map = affine_map<(d0, d1) -> (0)>
#map1 = affine_map<(d0, d1) -> (0, 0)>
#map2 = affine_map<(d0, d1) -> (0, 0, 0)>
module attributes {stable_mosaic.version = 14 : i64} {
  func.func @k(%arg0: i32, %arg1: i32, %arg2: memref<320000xi32, #tpu.memory_space<hbm>>, %arg3: memref<320000xi32, #tpu.memory_space<hbm>>, %arg4: memref<10000x128xf32, #tpu.memory_space<hbm>>, %arg5: memref<80x128xf32, #tpu.memory_space<hbm>>, %arg6: memref<2x10240x128xf32, #tpu.memory_space<hbm>>, %arg7: memref<80xi32, #tpu.memory_space<vmem>>, %arg8: memref<80xi32, #tpu.memory_space<vmem>>, %arg9: memref<80xi32, #tpu.memory_space<vmem>>, %arg10: memref<80xi32, #tpu.memory_space<vmem>>, %arg11: memref<80xi32, #tpu.memory_space<vmem>>, %arg12: memref<80xi32, #tpu.memory_space<vmem>>, %arg13: memref<80xi32, #tpu.memory_space<vmem>>, %arg14: memref<80xi32, #tpu.memory_space<vmem>>, %arg15: memref<80x128xf32, #tpu.memory_space<vmem>>, %arg16: memref<80x128xf32, #tpu.memory_space<vmem>>, %arg17: memref<80x128xf32, #tpu.memory_space<vmem>>, %arg18: memref<80x128xf32, #tpu.memory_space<vmem>>, %arg19: memref<10240x128xf32, #tpu.memory_space<vmem_shared>>, %arg20: memref<!tpu.dma_semaphore, #tpu.memory_space<semaphore_mem>>, %arg21: memref<!tpu.dma_semaphore, #tpu.memory_space<semaphore_mem>>, %arg22: memref<!tpu.dma_semaphore, #tpu.memory_space<semaphore_mem>>, %arg23: memref<!tpu.dma_semaphore, #tpu.memory_space<semaphore_mem>>, %arg24: memref<!tpu.dma_semaphore, #tpu.memory_space<semaphore_mem>>, %arg25: memref<!tpu.dma_semaphore, #tpu.memory_space<semaphore_mem>>, %arg26: memref<!tpu.dma_semaphore, #tpu.memory_space<semaphore_mem>>, %arg27: memref<!tpu.dma_semaphore, #tpu.memory_space<semaphore_mem>>, %arg28: memref<!tpu.dma_semaphore, #tpu.memory_space<semaphore_mem>>, %arg29: memref<!tpu.dma_semaphore, #tpu.memory_space<semaphore_mem>>, %arg30: memref<!tpu.dma_semaphore, #tpu.memory_space<semaphore_mem>>, %arg31: memref<!tpu.dma_semaphore, #tpu.memory_space<semaphore_mem>>) attributes {dimension_semantics = [#tpu.dimension_semantics<core_parallel>, #tpu.dimension_semantics<subcore_parallel>], iteration_bounds = array<i64: 2, 16>, scalar_prefetch = 0 : i64, scratch_operands = 25 : i64, tpu.core_type = #tpu.core_type<sc_vector_subcore>, window_params = [{transform_indices = #map}, {transform_indices = #map}, {transform_indices = #map1}, {transform_indices = #map1}, {transform_indices = #map2}]} {
    %mul3A = arith.constant 2 : i32
    %mul3A_0 = arith.muli %arg1, %mul3A : i32
    %add3A = arith.addi %mul3A_0, %arg0 : i32
    "tpu.region"() ({
      %run_scoped3A = tpu.sem_alloc : memref<!tpu.dma_semaphore, #tpu.memory_space<semaphore_mem>>
      tpu.enqueue_dma source(%arg5 : memref<80x128xf32, #tpu.memory_space<hbm>>) target(%arg15 : memref<80x128xf32, #tpu.memory_space<vmem>>) target_semaphore(%run_scoped3A : memref<!tpu.dma_semaphore, #tpu.memory_space<semaphore_mem>>)
      tpu.wait_dma2 semaphore(%run_scoped3A : memref<!tpu.dma_semaphore, #tpu.memory_space<semaphore_mem>>) src(%arg5 : memref<80x128xf32, #tpu.memory_space<hbm>>) dst(%arg15 : memref<80x128xf32, #tpu.memory_space<vmem>>)
      tpu.yield
    }) : () -> ()
    %scan3A = arith.constant 0 : i32
    %scan3A_1 = arith.constant 8 : i32
    %scan3A_2 = arith.addi %scan3A, %scan3A_1 : i32
    %scan3A_3 = arith.constant 1 : i32
    scf.for %scan3A_24 = %scan3A to %scan3A_2 step %scan3A_3  : i32 {
      %mul3A_25 = arith.constant 1 : i32
      %mul3A_26 = arith.muli %scan3A_24, %mul3A_25 : i32
      %add3A_27 = arith.constant 0 : i32
      %add3A_28 = arith.addi %add3A_27, %mul3A_26 : i32
      %mul3A_29 = arith.constant 640 : i32
      %mul3A_30 = arith.muli %arg1, %mul3A_29 : i32
      %mul3A_31 = arith.constant 80 : i32
      %mul3A_32 = arith.muli %add3A_28, %mul3A_31 : i32
      %add3A_33 = arith.addi %mul3A_30, %mul3A_32 : i32
      "tpu.region"() ({
        %run_scoped3A = tpu.sem_alloc : memref<!tpu.dma_semaphore, #tpu.memory_space<semaphore_mem>>
        %dma_start3A_34 = arith.constant 0 : i32
        %dma_start3A_35 = tpu.memref_slice %arg19[%add3A_33, %dma_start3A_34] : memref<10240x128xf32, #tpu.memory_space<vmem_shared>> -> memref<80x128xf32, #tpu.memory_space<vmem_shared>>
        %dma_start3A_36 = arith.constant 0 : i32
        %dma_start3A_37 = tpu.memref_slice %arg19[%add3A_33, %dma_start3A_36] : memref<10240x128xf32, #tpu.memory_space<vmem_shared>> -> memref<80x128xf32, #tpu.memory_space<vmem_shared>>
        tpu.enqueue_dma source(%arg15 : memref<80x128xf32, #tpu.memory_space<vmem>>) target(%dma_start3A_37 : memref<80x128xf32, #tpu.memory_space<vmem_shared>>) target_semaphore(%run_scoped3A : memref<!tpu.dma_semaphore, #tpu.memory_space<semaphore_mem>>)
        %dma_wait3A_38 = arith.constant 0 : i32
        %dma_wait3A_39 = tpu.memref_slice %arg19[%add3A_33, %dma_wait3A_38] : memref<10240x128xf32, #tpu.memory_space<vmem_shared>> -> memref<80x128xf32, #tpu.memory_space<vmem_shared>>
        %dma_wait3A_40 = arith.constant 0 : i32
        %dma_wait3A_41 = tpu.memref_slice %arg19[%add3A_33, %dma_wait3A_40] : memref<10240x128xf32, #tpu.memory_space<vmem_shared>> -> memref<80x128xf32, #tpu.memory_space<vmem_shared>>
        tpu.wait_dma2 semaphore(%run_scoped3A : memref<!tpu.dma_semaphore, #tpu.memory_space<semaphore_mem>>) src(%arg15 : memref<80x128xf32, #tpu.memory_space<vmem>>) dst(%dma_wait3A_41 : memref<80x128xf32, #tpu.memory_space<vmem_shared>>)
        tpu.yield
      }) : () -> ()
    }
    %scan3A_4 = arith.constant 8 : i32
    %barrier3A = arith.constant 0 : index
    tpu.barrier barrier_id(%barrier3A)
    %mul3A_5 = arith.constant 10000 : i32
    %mul3A_6 = arith.muli %add3A, %mul3A_5 : i32
    %add3A_7 = arith.constant 0 : i32
    %add3A_8 = arith.addi %mul3A_6, %add3A_7 : i32
    "tpu.region"() ({
      %run_scoped3A = tpu.sem_alloc : memref<!tpu.dma_semaphore, #tpu.memory_space<semaphore_mem>>
      %dma_start3A_24 = tpu.memref_slice %arg2[%add3A_8] : memref<320000xi32, #tpu.memory_space<hbm>> -> memref<80xi32, #tpu.memory_space<hbm>>
      %dma_start3A_25 = tpu.memref_slice %arg2[%add3A_8] : memref<320000xi32, #tpu.memory_space<hbm>> -> memref<80xi32, #tpu.memory_space<hbm>>
      tpu.enqueue_dma source(%dma_start3A_25 : memref<80xi32, #tpu.memory_space<hbm>>) target(%arg7 : memref<80xi32, #tpu.memory_space<vmem>>) target_semaphore(%run_scoped3A : memref<!tpu.dma_semaphore, #tpu.memory_space<semaphore_mem>>)
      %dma_wait3A_26 = tpu.memref_slice %arg2[%add3A_8] : memref<320000xi32, #tpu.memory_space<hbm>> -> memref<80xi32, #tpu.memory_space<hbm>>
      %dma_wait3A_27 = tpu.memref_slice %arg2[%add3A_8] : memref<320000xi32, #tpu.memory_space<hbm>> -> memref<80xi32, #tpu.memory_space<hbm>>
      tpu.wait_dma2 semaphore(%run_scoped3A : memref<!tpu.dma_semaphore, #tpu.memory_space<semaphore_mem>>) src(%dma_wait3A_27 : memref<80xi32, #tpu.memory_space<hbm>>) dst(%arg7 : memref<80xi32, #tpu.memory_space<vmem>>)
      tpu.yield
    }) : () -> ()
    "tpu.region"() ({
      %run_scoped3A = tpu.sem_alloc : memref<!tpu.dma_semaphore, #tpu.memory_space<semaphore_mem>>
      %dma_start3A_24 = tpu.memref_slice %arg3[%add3A_8] : memref<320000xi32, #tpu.memory_space<hbm>> -> memref<80xi32, #tpu.memory_space<hbm>>
      %dma_start3A_25 = tpu.memref_slice %arg3[%add3A_8] : memref<320000xi32, #tpu.memory_space<hbm>> -> memref<80xi32, #tpu.memory_space<hbm>>
      tpu.enqueue_dma source(%dma_start3A_25 : memref<80xi32, #tpu.memory_space<hbm>>) target(%arg11 : memref<80xi32, #tpu.memory_space<vmem>>) target_semaphore(%run_scoped3A : memref<!tpu.dma_semaphore, #tpu.memory_space<semaphore_mem>>)
      %dma_wait3A_26 = tpu.memref_slice %arg3[%add3A_8] : memref<320000xi32, #tpu.memory_space<hbm>> -> memref<80xi32, #tpu.memory_space<hbm>>
      %dma_wait3A_27 = tpu.memref_slice %arg3[%add3A_8] : memref<320000xi32, #tpu.memory_space<hbm>> -> memref<80xi32, #tpu.memory_space<hbm>>
      tpu.wait_dma2 semaphore(%run_scoped3A : memref<!tpu.dma_semaphore, #tpu.memory_space<semaphore_mem>>) src(%dma_wait3A_27 : memref<80xi32, #tpu.memory_space<hbm>>) dst(%arg11 : memref<80xi32, #tpu.memory_space<vmem>>)
      tpu.yield
    }) : () -> ()
    %dma_start3A = arith.constant 0 : i32
    %dma_start3A_9 = arith.constant 0 : i32
    %dma_start3A_10 = tpu.memref_slice %arg4[%dma_start3A, %dma_start3A_9] : memref<10000x128xf32, #tpu.memory_space<hbm>> -> memref<10000x128xf32, #tpu.memory_space<hbm>>
    tpu.enqueue_indirect_dma source(%dma_start3A_10 : memref<10000x128xf32, #tpu.memory_space<hbm>>) target(%arg15 : memref<80x128xf32, #tpu.memory_space<vmem>>) offsets(%arg7 : memref<80xi32, #tpu.memory_space<vmem>>) semaphore(%arg28 : memref<!tpu.dma_semaphore, #tpu.memory_space<semaphore_mem>>)
    %scan3A_11 = arith.constant 0 : i32
    %scan3A_12 = arith.constant 62 : i32
    %scan3A_13 = arith.addi %scan3A_11, %scan3A_12 : i32
    %scan3A_14 = arith.constant 1 : i32
    scf.for %scan3A_24 = %scan3A_11 to %scan3A_13 step %scan3A_14  : i32 {
      %mul3A_25 = arith.constant 1 : i32
      %mul3A_26 = arith.muli %scan3A_24, %mul3A_25 : i32
      %add3A_27 = arith.constant 0 : i32
      %add3A_28 = arith.addi %add3A_27, %mul3A_26 : i32
      %mul3A_29 = arith.constant 2 : i32
      %mul3A_30 = arith.muli %add3A_28, %mul3A_29 : i32
      %add3A_31 = arith.constant 0 : i32
      %add3A_32 = arith.addi %mul3A_30, %add3A_31 : i32
      %add3A_33 = arith.constant 1 : i32
      %add3A_34 = arith.addi %add3A_32, %add3A_33 : i32
      %mul3A_35 = arith.constant 10000 : i32
      %mul3A_36 = arith.muli %add3A, %mul3A_35 : i32
      %mul3A_37 = arith.constant 80 : i32
      %mul3A_38 = arith.muli %add3A_34, %mul3A_37 : i32
      %add3A_39 = arith.addi %mul3A_36, %mul3A_38 : i32
      "tpu.region"() ({
        %run_scoped3A = tpu.sem_alloc : memref<!tpu.dma_semaphore, #tpu.memory_space<semaphore_mem>>
        %dma_start3A_63 = tpu.memref_slice %arg2[%add3A_39] : memref<320000xi32, #tpu.memory_space<hbm>> -> memref<80xi32, #tpu.memory_space<hbm>>
        %dma_start3A_64 = tpu.memref_slice %arg2[%add3A_39] : memref<320000xi32, #tpu.memory_space<hbm>> -> memref<80xi32, #tpu.memory_space<hbm>>
        tpu.enqueue_dma source(%dma_start3A_64 : memref<80xi32, #tpu.memory_space<hbm>>) target(%arg8 : memref<80xi32, #tpu.memory_space<vmem>>) target_semaphore(%run_scoped3A : memref<!tpu.dma_semaphore, #tpu.memory_space<semaphore_mem>>)
        %dma_wait3A_65 = tpu.memref_slice %arg2[%add3A_39] : memref<320000xi32, #tpu.memory_space<hbm>> -> memref<80xi32, #tpu.memory_space<hbm>>
        %dma_wait3A_66 = tpu.memref_slice %arg2[%add3A_39] : memref<320000xi32, #tpu.memory_space<hbm>> -> memref<80xi32, #tpu.memory_space<hbm>>
        tpu.wait_dma2 semaphore(%run_scoped3A : memref<!tpu.dma_semaphore, #tpu.memory_space<semaphore_mem>>) src(%dma_wait3A_66 : memref<80xi32, #tpu.memory_space<hbm>>) dst(%arg8 : memref<80xi32, #tpu.memory_space<vmem>>)
        tpu.yield
      }) : () -> ()
      "tpu.region"() ({
        %run_scoped3A = tpu.sem_alloc : memref<!tpu.dma_semaphore, #tpu.memory_space<semaphore_mem>>
        %dma_start3A_63 = tpu.memref_slice %arg3[%add3A_39] : memref<320000xi32, #tpu.memory_space<hbm>> -> memref<80xi32, #tpu.memory_space<hbm>>
        %dma_start3A_64 = tpu.memref_slice %arg3[%add3A_39] : memref<320000xi32, #tpu.memory_space<hbm>> -> memref<80xi32, #tpu.memory_space<hbm>>
        tpu.enqueue_dma source(%dma_start3A_64 : memref<80xi32, #tpu.memory_space<hbm>>) target(%arg12 : memref<80xi32, #tpu.memory_space<vmem>>) target_semaphore(%run_scoped3A : memref<!tpu.dma_semaphore, #tpu.memory_space<semaphore_mem>>)
        %dma_wait3A_65 = tpu.memref_slice %arg3[%add3A_39] : memref<320000xi32, #tpu.memory_space<hbm>> -> memref<80xi32, #tpu.memory_space<hbm>>
        %dma_wait3A_66 = tpu.memref_slice %arg3[%add3A_39] : memref<320000xi32, #tpu.memory_space<hbm>> -> memref<80xi32, #tpu.memory_space<hbm>>
        tpu.wait_dma2 semaphore(%run_scoped3A : memref<!tpu.dma_semaphore, #tpu.memory_space<semaphore_mem>>) src(%dma_wait3A_66 : memref<80xi32, #tpu.memory_space<hbm>>) dst(%arg12 : memref<80xi32, #tpu.memory_space<vmem>>)
        tpu.yield
      }) : () -> ()
      %dma_wait3A_40 = arith.constant 0 : i32
      %dma_wait3A_41 = arith.constant 0 : i32
      %dma_wait3A_42 = tpu.memref_slice %arg4[%dma_wait3A_40, %dma_wait3A_41] : memref<10000x128xf32, #tpu.memory_space<hbm>> -> memref<10000x128xf32, #tpu.memory_space<hbm>>
      tpu.wait_indirect_dma semaphore(%arg28 : memref<!tpu.dma_semaphore, #tpu.memory_space<semaphore_mem>>) src(%dma_wait3A_42 : memref<10000x128xf32, #tpu.memory_space<hbm>>) dst(%arg15 : memref<80x128xf32, #tpu.memory_space<vmem>>)
      %dma_start3A_43 = arith.constant 0 : i32
      %dma_start3A_44 = arith.constant 0 : i32
      %dma_start3A_45 = tpu.memref_slice %arg4[%dma_start3A_43, %dma_start3A_44] : memref<10000x128xf32, #tpu.memory_space<hbm>> -> memref<10000x128xf32, #tpu.memory_space<hbm>>
      tpu.enqueue_indirect_dma source(%dma_start3A_45 : memref<10000x128xf32, #tpu.memory_space<hbm>>) target(%arg16 : memref<80x128xf32, #tpu.memory_space<vmem>>) offsets(%arg8 : memref<80xi32, #tpu.memory_space<vmem>>) semaphore(%arg29 : memref<!tpu.dma_semaphore, #tpu.memory_space<semaphore_mem>>)
      "tpu.region"() ({
        %run_scoped3A = tpu.sem_alloc : memref<!tpu.dma_semaphore, #tpu.memory_space<semaphore_mem>>
        %dma_start3A_63 = arith.constant 0 : i32
        %dma_start3A_64 = arith.constant 0 : i32
        %dma_start3A_65 = tpu.memref_slice %arg19[%dma_start3A_63, %dma_start3A_64] : memref<10240x128xf32, #tpu.memory_space<vmem_shared>> -> memref<10240x128xf32, #tpu.memory_space<vmem_shared>>
        tpu.enqueue_indirect_dma source(%arg15 : memref<80x128xf32, #tpu.memory_space<vmem>>) target(%dma_start3A_65 : memref<10240x128xf32, #tpu.memory_space<vmem_shared>>) offsets(%arg11 : memref<80xi32, #tpu.memory_space<vmem>>) semaphore(%run_scoped3A : memref<!tpu.dma_semaphore, #tpu.memory_space<semaphore_mem>>) {add = true}
        %dma_wait3A_66 = arith.constant 0 : i32
        %dma_wait3A_67 = arith.constant 0 : i32
        %dma_wait3A_68 = tpu.memref_slice %arg19[%dma_wait3A_66, %dma_wait3A_67] : memref<10240x128xf32, #tpu.memory_space<vmem_shared>> -> memref<10240x128xf32, #tpu.memory_space<vmem_shared>>
        tpu.wait_indirect_dma semaphore(%run_scoped3A : memref<!tpu.dma_semaphore, #tpu.memory_space<semaphore_mem>>) src(%arg15 : memref<80x128xf32, #tpu.memory_space<vmem>>) dst(%dma_wait3A_68 : memref<10240x128xf32, #tpu.memory_space<vmem_shared>>)
        tpu.yield
      }) : () -> ()
      %mul3A_46 = arith.constant 2 : i32
      %mul3A_47 = arith.muli %add3A_28, %mul3A_46 : i32
      %add3A_48 = arith.constant 1 : i32
      %add3A_49 = arith.addi %mul3A_47, %add3A_48 : i32
      %add3A_50 = arith.constant 1 : i32
      %add3A_51 = arith.addi %add3A_49, %add3A_50 : i32
      %mul3A_52 = arith.constant 10000 : i32
      %mul3A_53 = arith.muli %add3A, %mul3A_52 : i32
      %mul3A_54 = arith.constant 80 : i32
      %mul3A_55 = arith.muli %add3A_51, %mul3A_54 : i32
      %add3A_56 = arith.addi %mul3A_53, %mul3A_55 : i32
      "tpu.region"() ({
        %run_scoped3A = tpu.sem_alloc : memref<!tpu.dma_semaphore, #tpu.memory_space<semaphore_mem>>
        %dma_start3A_63 = tpu.memref_slice %arg2[%add3A_56] : memref<320000xi32, #tpu.memory_space<hbm>> -> memref<80xi32, #tpu.memory_space<hbm>>
        %dma_start3A_64 = tpu.memref_slice %arg2[%add3A_56] : memref<320000xi32, #tpu.memory_space<hbm>> -> memref<80xi32, #tpu.memory_space<hbm>>
        tpu.enqueue_dma source(%dma_start3A_64 : memref<80xi32, #tpu.memory_space<hbm>>) target(%arg7 : memref<80xi32, #tpu.memory_space<vmem>>) target_semaphore(%run_scoped3A : memref<!tpu.dma_semaphore, #tpu.memory_space<semaphore_mem>>)
        %dma_wait3A_65 = tpu.memref_slice %arg2[%add3A_56] : memref<320000xi32, #tpu.memory_space<hbm>> -> memref<80xi32, #tpu.memory_space<hbm>>
        %dma_wait3A_66 = tpu.memref_slice %arg2[%add3A_56] : memref<320000xi32, #tpu.memory_space<hbm>> -> memref<80xi32, #tpu.memory_space<hbm>>
        tpu.wait_dma2 semaphore(%run_scoped3A : memref<!tpu.dma_semaphore, #tpu.memory_space<semaphore_mem>>) src(%dma_wait3A_66 : memref<80xi32, #tpu.memory_space<hbm>>) dst(%arg7 : memref<80xi32, #tpu.memory_space<vmem>>)
        tpu.yield
      }) : () -> ()
      "tpu.region"() ({
        %run_scoped3A = tpu.sem_alloc : memref<!tpu.dma_semaphore, #tpu.memory_space<semaphore_mem>>
        %dma_start3A_63 = tpu.memref_slice %arg3[%add3A_56] : memref<320000xi32, #tpu.memory_space<hbm>> -> memref<80xi32, #tpu.memory_space<hbm>>
        %dma_start3A_64 = tpu.memref_slice %arg3[%add3A_56] : memref<320000xi32, #tpu.memory_space<hbm>> -> memref<80xi32, #tpu.memory_space<hbm>>
        tpu.enqueue_dma source(%dma_start3A_64 : memref<80xi32, #tpu.memory_space<hbm>>) target(%arg11 : memref<80xi32, #tpu.memory_space<vmem>>) target_semaphore(%run_scoped3A : memref<!tpu.dma_semaphore, #tpu.memory_space<semaphore_mem>>)
        %dma_wait3A_65 = tpu.memref_slice %arg3[%add3A_56] : memref<320000xi32, #tpu.memory_space<hbm>> -> memref<80xi32, #tpu.memory_space<hbm>>
        %dma_wait3A_66 = tpu.memref_slice %arg3[%add3A_56] : memref<320000xi32, #tpu.memory_space<hbm>> -> memref<80xi32, #tpu.memory_space<hbm>>
        tpu.wait_dma2 semaphore(%run_scoped3A : memref<!tpu.dma_semaphore, #tpu.memory_space<semaphore_mem>>) src(%dma_wait3A_66 : memref<80xi32, #tpu.memory_space<hbm>>) dst(%arg11 : memref<80xi32, #tpu.memory_space<vmem>>)
        tpu.yield
      }) : () -> ()
      %dma_wait3A_57 = arith.constant 0 : i32
      %dma_wait3A_58 = arith.constant 0 : i32
      %dma_wait3A_59 = tpu.memref_slice %arg4[%dma_wait3A_57, %dma_wait3A_58] : memref<10000x128xf32, #tpu.memory_space<hbm>> -> memref<10000x128xf32, #tpu.memory_space<hbm>>
      tpu.wait_indirect_dma semaphore(%arg29 : memref<!tpu.dma_semaphore, #tpu.memory_space<semaphore_mem>>) src(%dma_wait3A_59 : memref<10000x128xf32, #tpu.memory_space<hbm>>) dst(%arg16 : memref<80x128xf32, #tpu.memory_space<vmem>>)
      %dma_start3A_60 = arith.constant 0 : i32
      %dma_start3A_61 = arith.constant 0 : i32
      %dma_start3A_62 = tpu.memref_slice %arg4[%dma_start3A_60, %dma_start3A_61] : memref<10000x128xf32, #tpu.memory_space<hbm>> -> memref<10000x128xf32, #tpu.memory_space<hbm>>
      tpu.enqueue_indirect_dma source(%dma_start3A_62 : memref<10000x128xf32, #tpu.memory_space<hbm>>) target(%arg15 : memref<80x128xf32, #tpu.memory_space<vmem>>) offsets(%arg7 : memref<80xi32, #tpu.memory_space<vmem>>) semaphore(%arg28 : memref<!tpu.dma_semaphore, #tpu.memory_space<semaphore_mem>>)
      "tpu.region"() ({
        %run_scoped3A = tpu.sem_alloc : memref<!tpu.dma_semaphore, #tpu.memory_space<semaphore_mem>>
        %dma_start3A_63 = arith.constant 0 : i32
        %dma_start3A_64 = arith.constant 0 : i32
        %dma_start3A_65 = tpu.memref_slice %arg19[%dma_start3A_63, %dma_start3A_64] : memref<10240x128xf32, #tpu.memory_space<vmem_shared>> -> memref<10240x128xf32, #tpu.memory_space<vmem_shared>>
        tpu.enqueue_indirect_dma source(%arg16 : memref<80x128xf32, #tpu.memory_space<vmem>>) target(%dma_start3A_65 : memref<10240x128xf32, #tpu.memory_space<vmem_shared>>) offsets(%arg12 : memref<80xi32, #tpu.memory_space<vmem>>) semaphore(%run_scoped3A : memref<!tpu.dma_semaphore, #tpu.memory_space<semaphore_mem>>) {add = true}
        %dma_wait3A_66 = arith.constant 0 : i32
        %dma_wait3A_67 = arith.constant 0 : i32
        %dma_wait3A_68 = tpu.memref_slice %arg19[%dma_wait3A_66, %dma_wait3A_67] : memref<10240x128xf32, #tpu.memory_space<vmem_shared>> -> memref<10240x128xf32, #tpu.memory_space<vmem_shared>>
        tpu.wait_indirect_dma semaphore(%run_scoped3A : memref<!tpu.dma_semaphore, #tpu.memory_space<semaphore_mem>>) src(%arg16 : memref<80x128xf32, #tpu.memory_space<vmem>>) dst(%dma_wait3A_68 : memref<10240x128xf32, #tpu.memory_space<vmem_shared>>)
        tpu.yield
      }) : () -> ()
    }
    %scan3A_15 = arith.constant 62 : i32
    %dma_wait3A = arith.constant 0 : i32
    %dma_wait3A_16 = arith.constant 0 : i32
    %dma_wait3A_17 = tpu.memref_slice %arg4[%dma_wait3A, %dma_wait3A_16] : memref<10000x128xf32, #tpu.memory_space<hbm>> -> memref<10000x128xf32, #tpu.memory_space<hbm>>
    tpu.wait_indirect_dma semaphore(%arg28 : memref<!tpu.dma_semaphore, #tpu.memory_space<semaphore_mem>>) src(%dma_wait3A_17 : memref<10000x128xf32, #tpu.memory_space<hbm>>) dst(%arg15 : memref<80x128xf32, #tpu.memory_space<vmem>>)
    "tpu.region"() ({
      %run_scoped3A = tpu.sem_alloc : memref<!tpu.dma_semaphore, #tpu.memory_space<semaphore_mem>>
      %dma_start3A_24 = arith.constant 0 : i32
      %dma_start3A_25 = arith.constant 0 : i32
      %dma_start3A_26 = tpu.memref_slice %arg19[%dma_start3A_24, %dma_start3A_25] : memref<10240x128xf32, #tpu.memory_space<vmem_shared>> -> memref<10240x128xf32, #tpu.memory_space<vmem_shared>>
      tpu.enqueue_indirect_dma source(%arg15 : memref<80x128xf32, #tpu.memory_space<vmem>>) target(%dma_start3A_26 : memref<10240x128xf32, #tpu.memory_space<vmem_shared>>) offsets(%arg11 : memref<80xi32, #tpu.memory_space<vmem>>) semaphore(%run_scoped3A : memref<!tpu.dma_semaphore, #tpu.memory_space<semaphore_mem>>) {add = true}
      %dma_wait3A_27 = arith.constant 0 : i32
      %dma_wait3A_28 = arith.constant 0 : i32
      %dma_wait3A_29 = tpu.memref_slice %arg19[%dma_wait3A_27, %dma_wait3A_28] : memref<10240x128xf32, #tpu.memory_space<vmem_shared>> -> memref<10240x128xf32, #tpu.memory_space<vmem_shared>>
      tpu.wait_indirect_dma semaphore(%run_scoped3A : memref<!tpu.dma_semaphore, #tpu.memory_space<semaphore_mem>>) src(%arg15 : memref<80x128xf32, #tpu.memory_space<vmem>>) dst(%dma_wait3A_29 : memref<10240x128xf32, #tpu.memory_space<vmem_shared>>)
      tpu.yield
    }) : () -> ()
    %barrier3A_18 = arith.constant 0 : index
    tpu.barrier barrier_id(%barrier3A_18)
    %scan3A_19 = arith.constant 0 : i32
    %scan3A_20 = arith.constant 8 : i32
    %scan3A_21 = arith.addi %scan3A_19, %scan3A_20 : i32
    %scan3A_22 = arith.constant 1 : i32
    scf.for %scan3A_24 = %scan3A_19 to %scan3A_21 step %scan3A_22  : i32 {
      %mul3A_25 = arith.constant 1 : i32
      %mul3A_26 = arith.muli %scan3A_24, %mul3A_25 : i32
      %add3A_27 = arith.constant 0 : i32
      %add3A_28 = arith.addi %add3A_27, %mul3A_26 : i32
      %mul3A_29 = arith.constant 640 : i32
      %mul3A_30 = arith.muli %arg1, %mul3A_29 : i32
      %mul3A_31 = arith.constant 80 : i32
      %mul3A_32 = arith.muli %add3A_28, %mul3A_31 : i32
      %add3A_33 = arith.addi %mul3A_30, %mul3A_32 : i32
      "tpu.region"() ({
        %run_scoped3A = tpu.sem_alloc : memref<!tpu.dma_semaphore, #tpu.memory_space<semaphore_mem>>
        %dma_start3A_34 = arith.constant 0 : i32
        %dma_start3A_35 = tpu.memref_slice %arg19[%add3A_33, %dma_start3A_34] : memref<10240x128xf32, #tpu.memory_space<vmem_shared>> -> memref<80x128xf32, #tpu.memory_space<vmem_shared>>
        %dma_start3A_36 = arith.constant 0 : i32
        %dma_start3A_37 = tpu.memref_slice %arg19[%add3A_33, %dma_start3A_36] : memref<10240x128xf32, #tpu.memory_space<vmem_shared>> -> memref<80x128xf32, #tpu.memory_space<vmem_shared>>
        tpu.enqueue_dma source(%dma_start3A_37 : memref<80x128xf32, #tpu.memory_space<vmem_shared>>) target(%arg15 : memref<80x128xf32, #tpu.memory_space<vmem>>) target_semaphore(%run_scoped3A : memref<!tpu.dma_semaphore, #tpu.memory_space<semaphore_mem>>)
        %dma_wait3A_38 = arith.constant 0 : i32
        %dma_wait3A_39 = tpu.memref_slice %arg19[%add3A_33, %dma_wait3A_38] : memref<10240x128xf32, #tpu.memory_space<vmem_shared>> -> memref<80x128xf32, #tpu.memory_space<vmem_shared>>
        %dma_wait3A_40 = arith.constant 0 : i32
        %dma_wait3A_41 = tpu.memref_slice %arg19[%add3A_33, %dma_wait3A_40] : memref<10240x128xf32, #tpu.memory_space<vmem_shared>> -> memref<80x128xf32, #tpu.memory_space<vmem_shared>>
        tpu.wait_dma2 semaphore(%run_scoped3A : memref<!tpu.dma_semaphore, #tpu.memory_space<semaphore_mem>>) src(%dma_wait3A_41 : memref<80x128xf32, #tpu.memory_space<vmem_shared>>) dst(%arg15 : memref<80x128xf32, #tpu.memory_space<vmem>>)
        tpu.yield
      }) : () -> ()
      "tpu.region"() ({
        %run_scoped3A = tpu.sem_alloc : memref<!tpu.dma_semaphore, #tpu.memory_space<semaphore_mem>>
        %dma_start3A_34 = arith.constant 0 : i32
        %dma_start3A_35 = tpu.memref_slice %arg6[%arg0, %add3A_33, %dma_start3A_34] : memref<2x10240x128xf32, #tpu.memory_space<hbm>> -> memref<1x80x128xf32, #tpu.memory_space<hbm>>
        %dma_start3A_36 = tpu.memref_squeeze %dma_start3A_35 : memref<1x80x128xf32, #tpu.memory_space<hbm>> -> memref<80x128xf32, #tpu.memory_space<hbm>>
        %dma_start3A_37 = arith.constant 0 : i32
        %dma_start3A_38 = tpu.memref_slice %arg6[%arg0, %add3A_33, %dma_start3A_37] : memref<2x10240x128xf32, #tpu.memory_space<hbm>> -> memref<1x80x128xf32, #tpu.memory_space<hbm>>
        %dma_start3A_39 = tpu.memref_squeeze %dma_start3A_38 : memref<1x80x128xf32, #tpu.memory_space<hbm>> -> memref<80x128xf32, #tpu.memory_space<hbm>>
        tpu.enqueue_dma source(%arg15 : memref<80x128xf32, #tpu.memory_space<vmem>>) target(%dma_start3A_39 : memref<80x128xf32, #tpu.memory_space<hbm>>) target_semaphore(%run_scoped3A : memref<!tpu.dma_semaphore, #tpu.memory_space<semaphore_mem>>)
        %dma_wait3A_40 = arith.constant 0 : i32
        %dma_wait3A_41 = tpu.memref_slice %arg6[%arg0, %add3A_33, %dma_wait3A_40] : memref<2x10240x128xf32, #tpu.memory_space<hbm>> -> memref<1x80x128xf32, #tpu.memory_space<hbm>>
        %dma_wait3A_42 = tpu.memref_squeeze %dma_wait3A_41 : memref<1x80x128xf32, #tpu.memory_space<hbm>> -> memref<80x128xf32, #tpu.memory_space<hbm>>
        %dma_wait3A_43 = arith.constant 0 : i32
        %dma_wait3A_44 = tpu.memref_slice %arg6[%arg0, %add3A_33, %dma_wait3A_43] : memref<2x10240x128xf32, #tpu.memory_space<hbm>> -> memref<1x80x128xf32, #tpu.memory_space<hbm>>
        %dma_wait3A_45 = tpu.memref_squeeze %dma_wait3A_44 : memref<1x80x128xf32, #tpu.memory_space<hbm>> -> memref<80x128xf32, #tpu.memory_space<hbm>>
        tpu.wait_dma2 semaphore(%run_scoped3A : memref<!tpu.dma_semaphore, #tpu.memory_space<semaphore_mem>>) src(%arg15 : memref<80x128xf32, #tpu.memory_space<vmem>>) dst(%dma_wait3A_45 : memref<80x128xf32, #tpu.memory_space<hbm>>)
        tpu.yield
      }) : () -> ()
    }
    %scan3A_23 = arith.constant 8 : i32
    return
  }
}

module attributes {stable_mosaic.version = 14 : i64} {
  func.func @_mid_body(%arg0: i32, %arg1: memref<2x1000x128xf32, #tpu.memory_space<vmem>>, %arg2: memref<2x1000x128xf32, #tpu.memory_space<vmem>>, %arg3: memref<1000x128xf32, #tpu.memory_space<vmem>>, %arg4: memref<1x128xf32, #tpu.memory_space<vmem>>, %arg5: memref<1000x128xf32, #tpu.memory_space<vmem>>) attributes {dimension_semantics = [#tpu.dimension_semantics<arbitrary>], iteration_bounds = array<i64: 10>, scalar_prefetch = 0 : i64, scratch_operands = 0 : i64, tpu.core_type = #tpu.core_type<tc>, window_params = [{transform_indices = @transform_0, window_bounds = array<i64: 2, 1000, 128>}, {transform_indices = @transform_1, window_bounds = array<i64: 2, 1000, 128>}, {transform_indices = @transform_2, window_bounds = array<i64: 1000, 128>}, {pipeline_mode = #tpu.pipeline_mode<synchronous>, transform_indices = @transform_3, window_bounds = array<i64: 1, 128>}, {transform_indices = @transform_4, window_bounds = array<i64: 1000, 128>}]} {
    %get3A = arith.constant 0 : index
    %get3A_0 = arith.constant 0 : index
    %get3A_1 = arith.constant 0 : index
    %get3A_2 = vector.load %arg2[%get3A, %get3A_0, %get3A_1] : memref<2x1000x128xf32, #tpu.memory_space<vmem>>, vector<1x1000x1xf32>
    %get3A_3 = vector.shape_cast %get3A_2 : vector<1x1000x1xf32> to vector<1000x1xf32>
    %get3A_4 = arith.constant 1 : index
    %get3A_5 = arith.constant 0 : index
    %get3A_6 = arith.constant 0 : index
    %get3A_7 = vector.load %arg2[%get3A_4, %get3A_5, %get3A_6] : memref<2x1000x128xf32, #tpu.memory_space<vmem>>, vector<1x1000x1xf32>
    %get3A_8 = vector.shape_cast %get3A_7 : vector<1x1000x1xf32> to vector<1000x1xf32>
    %add3A = arith.addf %get3A_3, %get3A_8 : vector<1000x1xf32>
    %add3A_9 = arith.constant 1.000000e+00 : f32
    %add3A_10 = vector.broadcast %add3A_9 : f32 to vector<1000x1xf32>
    %add3A_11 = arith.addf %add3A, %add3A_10 : vector<1000x1xf32>
    %rsqrt3A = math.rsqrt %add3A_11 : vector<1000x1xf32>
    %get3A_12 = arith.constant 0 : index
    %get3A_13 = arith.constant 0 : index
    %get3A_14 = vector.load %arg3[%get3A_12, %get3A_13] : memref<1000x128xf32, #tpu.memory_space<vmem>>, vector<1000x128xf32>
    %get3A_15 = arith.constant 0 : index
    %get3A_16 = arith.constant 0 : index
    %get3A_17 = arith.constant 0 : index
    %get3A_18 = vector.load %arg1[%get3A_15, %get3A_16, %get3A_17] : memref<2x1000x128xf32, #tpu.memory_space<vmem>>, vector<1x1000x128xf32>
    %get3A_19 = vector.shape_cast %get3A_18 : vector<1x1000x128xf32> to vector<1000x128xf32>
    %get3A_20 = arith.constant 1 : index
    %get3A_21 = arith.constant 0 : index
    %get3A_22 = arith.constant 0 : index
    %get3A_23 = vector.load %arg1[%get3A_20, %get3A_21, %get3A_22] : memref<2x1000x128xf32, #tpu.memory_space<vmem>>, vector<1x1000x128xf32>
    %get3A_24 = vector.shape_cast %get3A_23 : vector<1x1000x128xf32> to vector<1000x128xf32>
    %add3A_25 = arith.addf %get3A_19, %get3A_24 : vector<1000x128xf32>
    %add3A_26 = arith.addf %add3A_25, %get3A_14 : vector<1000x128xf32>
    %mul3A = vector.broadcast %rsqrt3A : vector<1000x1xf32> to vector<1000x128xf32>
    %mul3A_27 = arith.mulf %mul3A, %add3A_26 : vector<1000x128xf32>
    %get3A_28 = arith.constant 0 : index
    %get3A_29 = arith.constant 0 : index
    %get3A_30 = vector.load %arg4[%get3A_28, %get3A_29] : memref<1x128xf32, #tpu.memory_space<vmem>>, vector<1x128xf32>
    %add3A_31 = vector.broadcast %get3A_30 : vector<1x128xf32> to vector<1000x128xf32>
    %add3A_32 = arith.addf %mul3A_27, %add3A_31 : vector<1000x128xf32>
    %max3A = arith.constant 0.000000e+00 : f32
    %max3A_33 = vector.broadcast %max3A : f32 to vector<1000x128xf32>
    %max3A_34 = arith.maximumf %add3A_32, %max3A_33 : vector<1000x128xf32>
    %mul3A_35 = vector.broadcast %rsqrt3A : vector<1000x1xf32> to vector<1000x128xf32>
    %mul3A_36 = arith.mulf %mul3A_35, %max3A_34 : vector<1000x128xf32>
    %swap3A = arith.constant 0 : index
    %swap3A_37 = arith.constant 0 : index
    %swap3A_38 = vector.load %arg5[%swap3A, %swap3A_37] : memref<1000x128xf32, #tpu.memory_space<vmem>>, vector<1000x128xf32>
    tpu.vector_store %arg5[%swap3A, %swap3A_37], %mul3A_36 {strides = array<i32>} : memref<1000x128xf32, #tpu.memory_space<vmem>>, vector<1000x128xf32>,
    return
  }
  func.func @transform_0(%arg0: i32) -> (i32, i32, i32) {
    %c0_i32 = arith.constant 0 : i32
    %c0_i32_0 = arith.constant 0 : i32
    %c0_i32_1 = arith.constant 0 : i32
    return %c0_i32, %arg0, %c0_i32_0 : i32, i32, i32
  }
  func.func @transform_1(%arg0: i32) -> (i32, i32, i32) {
    %c0_i32 = arith.constant 0 : i32
    %c0_i32_0 = arith.constant 0 : i32
    %c0_i32_1 = arith.constant 0 : i32
    return %c0_i32, %arg0, %c0_i32_0 : i32, i32, i32
  }
  func.func @transform_2(%arg0: i32) -> (i32, i32) {
    %c0_i32 = arith.constant 0 : i32
    %c0_i32_0 = arith.constant 0 : i32
    return %arg0, %c0_i32 : i32, i32
  }
  func.func @transform_3(%arg0: i32) -> (i32, i32) {
    %c0_i32 = arith.constant 0 : i32
    %c0_i32_0 = arith.constant 0 : i32
    %c0_i32_1 = arith.constant 0 : i32
    return %c0_i32, %c0_i32_0 : i32, i32
  }
  func.func @transform_4(%arg0: i32) -> (i32, i32) {
    %c0_i32 = arith.constant 0 : i32
    %c0_i32_0 = arith.constant 0 : i32
    return %arg0, %c0_i32 : i32, i32
  }
}

module attributes {stable_mosaic.version = 14 : i64} {
  func.func @_xs1_body(%arg0: i32, %arg1: memref<1000x128xf32, #tpu.memory_space<vmem>>, %arg2: memref<2x1000x128xf32, #tpu.memory_space<vmem>>, %arg3: memref<128x128xf32, #tpu.memory_space<vmem>>, %arg4: memref<1000x128xf32, #tpu.memory_space<vmem>>) attributes {dimension_semantics = [#tpu.dimension_semantics<arbitrary>], iteration_bounds = array<i64: 10>, scalar_prefetch = 0 : i64, scratch_operands = 0 : i64, tpu.core_type = #tpu.core_type<tc>, window_params = [{transform_indices = @transform_0, window_bounds = array<i64: 1000, 128>}, {transform_indices = @transform_1, window_bounds = array<i64: 2, 1000, 128>}, {pipeline_mode = #tpu.pipeline_mode<synchronous>, transform_indices = @transform_2, window_bounds = array<i64: 128, 128>}, {transform_indices = @transform_3, window_bounds = array<i64: 1000, 128>}]} {
    %get3A = arith.constant 0 : index
    %get3A_0 = arith.constant 0 : index
    %get3A_1 = arith.constant 0 : index
    %get3A_2 = vector.load %arg2[%get3A, %get3A_0, %get3A_1] : memref<2x1000x128xf32, #tpu.memory_space<vmem>>, vector<1x1000x1xf32>
    %get3A_3 = vector.shape_cast %get3A_2 : vector<1x1000x1xf32> to vector<1000x1xf32>
    %get3A_4 = arith.constant 1 : index
    %get3A_5 = arith.constant 0 : index
    %get3A_6 = arith.constant 0 : index
    %get3A_7 = vector.load %arg2[%get3A_4, %get3A_5, %get3A_6] : memref<2x1000x128xf32, #tpu.memory_space<vmem>>, vector<1x1000x1xf32>
    %get3A_8 = vector.shape_cast %get3A_7 : vector<1x1000x1xf32> to vector<1000x1xf32>
    %add3A = arith.addf %get3A_3, %get3A_8 : vector<1000x1xf32>
    %add3A_9 = arith.constant 1.000000e+00 : f32
    %add3A_10 = vector.broadcast %add3A_9 : f32 to vector<1000x1xf32>
    %add3A_11 = arith.addf %add3A, %add3A_10 : vector<1000x1xf32>
    %rsqrt3A = math.rsqrt %add3A_11 : vector<1000x1xf32>
    %get3A_12 = arith.constant 0 : index
    %get3A_13 = arith.constant 0 : index
    %get3A_14 = vector.load %arg1[%get3A_12, %get3A_13] : memref<1000x128xf32, #tpu.memory_space<vmem>>, vector<1000x128xf32>
    %get3A_15 = arith.constant 0 : index
    %get3A_16 = arith.constant 0 : index
    %get3A_17 = vector.load %arg3[%get3A_15, %get3A_16] : memref<128x128xf32, #tpu.memory_space<vmem>>, vector<128x128xf32>
    %dot_general3A = arith.constant dense<0.000000e+00> : vector<1000x128xf32>
    %dot_general3A_18 = tpu.matmul %get3A_14, %get3A_17, %dot_general3A {dimension_numbers = #tpu.dot_dimension_numbers<[1], [0], [0], [1], [0, 0, 1, 1], [], []>, transpose_lhs_hint = false} : vector<1000x128xf32>, vector<128x128xf32>, vector<1000x128xf32> -> vector<1000x128xf32>
    %mul3A = vector.broadcast %rsqrt3A : vector<1000x1xf32> to vector<1000x128xf32>
    %mul3A_19 = arith.mulf %dot_general3A_18, %mul3A : vector<1000x128xf32>
    %swap3A = arith.constant 0 : index
    %swap3A_20 = arith.constant 0 : index
    %swap3A_21 = vector.load %arg4[%swap3A, %swap3A_20] : memref<1000x128xf32, #tpu.memory_space<vmem>>, vector<1000x128xf32>
    tpu.vector_store %arg4[%swap3A, %swap3A_20], %mul3A_19 {strides = array<i32>} : memref<1000x128xf32, #tpu.memory_space<vmem>>, vector<1000x128xf32>,
    return
  }
  func.func @transform_0(%arg0: i32) -> (i32, i32) {
    %c0_i32 = arith.constant 0 : i32
    %c0_i32_0 = arith.constant 0 : i32
    return %arg0, %c0_i32 : i32, i32
  }
  func.func @transform_1(%arg0: i32) -> (i32, i32, i32) {
    %c0_i32 = arith.constant 0 : i32
    %c0_i32_0 = arith.constant 0 : i32
    %c0_i32_1 = arith.constant 0 : i32
    return %c0_i32, %arg0, %c0_i32_0 : i32, i32, i32
  }
  func.func @transform_2(%arg0: i32) -> (i32, i32) {
    %c0_i32 = arith.constant 0 : i32
    %c0_i32_0 = arith.constant 0 : i32
    %c0_i32_1 = arith.constant 0 : i32
    return %c0_i32, %c0_i32_0 : i32, i32
  }
  func.func @transform_3(%arg0: i32) -> (i32, i32) {
    %c0_i32 = arith.constant 0 : i32
    %c0_i32_0 = arith.constant 0 : i32
    return %arg0, %c0_i32 : i32, i32
  }
}

module attributes {stable_mosaic.version = 14 : i64} {
  func.func @_fin_body(%arg0: i32, %arg1: memref<2x1000x128xf32, #tpu.memory_space<vmem>>, %arg2: memref<2x1000x128xf32, #tpu.memory_space<vmem>>, %arg3: memref<1000x128xf32, #tpu.memory_space<vmem>>, %arg4: memref<128x128xf32, #tpu.memory_space<vmem>>, %arg5: memref<1x128xf32, #tpu.memory_space<vmem>>, %arg6: memref<1000x128xf32, #tpu.memory_space<vmem>>) attributes {dimension_semantics = [#tpu.dimension_semantics<arbitrary>], iteration_bounds = array<i64: 10>, scalar_prefetch = 0 : i64, scratch_operands = 0 : i64, tpu.core_type = #tpu.core_type<tc>, window_params = [{transform_indices = @transform_0, window_bounds = array<i64: 2, 1000, 128>}, {transform_indices = @transform_1, window_bounds = array<i64: 2, 1000, 128>}, {transform_indices = @transform_2, window_bounds = array<i64: 1000, 128>}, {pipeline_mode = #tpu.pipeline_mode<synchronous>, transform_indices = @transform_3, window_bounds = array<i64: 128, 128>}, {pipeline_mode = #tpu.pipeline_mode<synchronous>, transform_indices = @transform_4, window_bounds = array<i64: 1, 128>}, {transform_indices = @transform_5, window_bounds = array<i64: 1000, 128>}]} {
    %get3A = arith.constant 0 : index
    %get3A_0 = arith.constant 0 : index
    %get3A_1 = arith.constant 0 : index
    %get3A_2 = vector.load %arg2[%get3A, %get3A_0, %get3A_1] : memref<2x1000x128xf32, #tpu.memory_space<vmem>>, vector<1x1000x1xf32>
    %get3A_3 = vector.shape_cast %get3A_2 : vector<1x1000x1xf32> to vector<1000x1xf32>
    %get3A_4 = arith.constant 1 : index
    %get3A_5 = arith.constant 0 : index
    %get3A_6 = arith.constant 0 : index
    %get3A_7 = vector.load %arg2[%get3A_4, %get3A_5, %get3A_6] : memref<2x1000x128xf32, #tpu.memory_space<vmem>>, vector<1x1000x1xf32>
    %get3A_8 = vector.shape_cast %get3A_7 : vector<1x1000x1xf32> to vector<1000x1xf32>
    %add3A = arith.addf %get3A_3, %get3A_8 : vector<1000x1xf32>
    %add3A_9 = arith.constant 1.000000e+00 : f32
    %add3A_10 = vector.broadcast %add3A_9 : f32 to vector<1000x1xf32>
    %add3A_11 = arith.addf %add3A, %add3A_10 : vector<1000x1xf32>
    %rsqrt3A = math.rsqrt %add3A_11 : vector<1000x1xf32>
    %get3A_12 = arith.constant 0 : index
    %get3A_13 = arith.constant 0 : index
    %get3A_14 = arith.constant 0 : index
    %get3A_15 = vector.load %arg1[%get3A_12, %get3A_13, %get3A_14] : memref<2x1000x128xf32, #tpu.memory_space<vmem>>, vector<1x1000x128xf32>
    %get3A_16 = vector.shape_cast %get3A_15 : vector<1x1000x128xf32> to vector<1000x128xf32>
    %get3A_17 = arith.constant 1 : index
    %get3A_18 = arith.constant 0 : index
    %get3A_19 = arith.constant 0 : index
    %get3A_20 = vector.load %arg1[%get3A_17, %get3A_18, %get3A_19] : memref<2x1000x128xf32, #tpu.memory_space<vmem>>, vector<1x1000x128xf32>
    %get3A_21 = vector.shape_cast %get3A_20 : vector<1x1000x128xf32> to vector<1000x128xf32>
    %add3A_22 = arith.addf %get3A_16, %get3A_21 : vector<1000x128xf32>
    %get3A_23 = arith.constant 0 : index
    %get3A_24 = arith.constant 0 : index
    %get3A_25 = vector.load %arg3[%get3A_23, %get3A_24] : memref<1000x128xf32, #tpu.memory_space<vmem>>, vector<1000x128xf32>
    %add3A_26 = arith.addf %add3A_22, %get3A_25 : vector<1000x128xf32>
    %mul3A = vector.broadcast %rsqrt3A : vector<1000x1xf32> to vector<1000x128xf32>
    %mul3A_27 = arith.mulf %mul3A, %add3A_26 : vector<1000x128xf32>
    %get3A_28 = arith.constant 0 : index
    %get3A_29 = arith.constant 0 : index
    %get3A_30 = vector.load %arg4[%get3A_28, %get3A_29] : memref<128x128xf32, #tpu.memory_space<vmem>>, vector<128x128xf32>
    %dot_general3A = arith.constant dense<0.000000e+00> : vector<1000x128xf32>
    %dot_general3A_31 = tpu.matmul %mul3A_27, %get3A_30, %dot_general3A {dimension_numbers = #tpu.dot_dimension_numbers<[1], [0], [0], [1], [0, 0, 1, 1], [], []>, transpose_lhs_hint = false} : vector<1000x128xf32>, vector<128x128xf32>, vector<1000x128xf32> -> vector<1000x128xf32>
    %get3A_32 = arith.constant 0 : index
    %get3A_33 = arith.constant 0 : index
    %get3A_34 = vector.load %arg5[%get3A_32, %get3A_33] : memref<1x128xf32, #tpu.memory_space<vmem>>, vector<1x128xf32>
    %add3A_35 = vector.broadcast %get3A_34 : vector<1x128xf32> to vector<1000x128xf32>
    %add3A_36 = arith.addf %dot_general3A_31, %add3A_35 : vector<1000x128xf32>
    %swap3A = arith.constant 0 : index
    %swap3A_37 = arith.constant 0 : index
    %swap3A_38 = vector.load %arg6[%swap3A, %swap3A_37] : memref<1000x128xf32, #tpu.memory_space<vmem>>, vector<1000x128xf32>
    tpu.vector_store %arg6[%swap3A, %swap3A_37], %add3A_36 {strides = array<i32>} : memref<1000x128xf32, #tpu.memory_space<vmem>>, vector<1000x128xf32>,
    return
  }
  func.func @transform_0(%arg0: i32) -> (i32, i32, i32) {
    %c0_i32 = arith.constant 0 : i32
    %c0_i32_0 = arith.constant 0 : i32
    %c0_i32_1 = arith.constant 0 : i32
    return %c0_i32, %arg0, %c0_i32_0 : i32, i32, i32
  }
  func.func @transform_1(%arg0: i32) -> (i32, i32, i32) {
    %c0_i32 = arith.constant 0 : i32
    %c0_i32_0 = arith.constant 0 : i32
    %c0_i32_1 = arith.constant 0 : i32
    return %c0_i32, %arg0, %c0_i32_0 : i32, i32, i32
  }
  func.func @transform_2(%arg0: i32) -> (i32, i32) {
    %c0_i32 = arith.constant 0 : i32
    %c0_i32_0 = arith.constant 0 : i32
    return %arg0, %c0_i32 : i32, i32
  }
  func.func @transform_3(%arg0: i32) -> (i32, i32) {
    %c0_i32 = arith.constant 0 : i32
    %c0_i32_0 = arith.constant 0 : i32
    %c0_i32_1 = arith.constant 0 : i32
    return %c0_i32, %c0_i32_0 : i32, i32
  }
  func.func @transform_4(%arg0: i32) -> (i32, i32) {
    %c0_i32 = arith.constant 0 : i32
    %c0_i32_0 = arith.constant 0 : i32
    %c0_i32_1 = arith.constant 0 : i32
    return %c0_i32, %c0_i32_0 : i32, i32
  }
  func.func @transform_5(%arg0: i32) -> (i32, i32) {
    %c0_i32 = arith.constant 0 : i32
    %c0_i32_0 = arith.constant 0 : i32
    return %arg0, %c0_i32 : i32, i32
  }
}

</mosaic_0001>

<sc_bundles>
// kernel: kernel.11.cloned.1.call-start
scs
__scs_entry_jumppad:
0x0: {  	(pc) =	sbr.rel $0x88, $3  }
0x1: {  	(tag) =	ssettag $0x0;
	lr =	simm.s32 $0x1  }
0x2: {  	[smem:$0x3F99] =	sst lr;
	_ =	strace $0xD0000000  }
0x3: {  	_ = 	snop  }
0x4: {  	_ = 	snop  }
0x5: {  	_ = 	snop  }
0x6: {  	_ = 	snop  }
0x7: {  	_ = 	snop  }
__scs_overlays_trampoline_lowered:
0x8: {  	[smem:$0x3FA8] =	sst s0  }
0x9: {  	[smem:$0x3FA9] =	sst s1  }
0xa: {  	[smem:$0x3FAA] =	sst s2  }
0xb: {  	[smem:$0x3FAB] =	sst s3  }
0xc: {  	[smem:$0x3FAC] =	sst s4  }
0xd: {  	[smem:$0x3FAD] =	sst s5  }
0xe: {  	[smem:$0x3FAE] =	sst s6  }
0xf: {  	[smem:$0x3FAF] =	sst s7  }
0x10: {  	[smem:$0x3FB0] =	sst s8  }
0x11: {  	[smem:$0x3FB1] =	sst s9;
	s0 =	simm.s32 @!p0 $0x0  }
0x12: {  	s1 =	sld [smem:$0x3F97];
	s0 =	simm.s32 @p0 $0x1  }
0x13: {  	[smem:$0x3FB2] =	sst s0;
	s0 =	simm.s32 @!p1 $0x0  }
0x14: {  	s2 =	sld [smem:$0x3F96];
	s0 =	simm.s32 @p1 $0x1  }
0x15: {  	[smem:$0x3FB3] =	sst s0;
	s0 =	simm.s32 @!p2 $0x0  }
0x16: {  	s3 =	sld [smem:$0x3FDB];
	s0 =	simm.s32 @p2 $0x1  }
0x17: {  	s4 =	simm.s32 $0x1BF5;
	[smem:$0x3FB5] =	sst s0  }
0x18: {  	s0 =	sld [smem:$0x3F98];
	_ =	swait.ge [sflag:s4], $0x0  }
0x19: {  	s7 =	sld [smem:$0x3F99]  }
0x1a: {  	s8 =	sadd.s32 $0xFFFFE003, lr  }
0x1b: {  	s9 =	sadd.s32 $0xFFFFFEF7, lr;
	s5 =	simm.s32 $0xFFFFFFFF;
	p2 =	slt.u32 s8, $0xFFFFF086  }
0x1c: {  	p1 =	slt.u32 s9, $0xF7A;
	s5 =	simm.s32 @!p2 $0x0  }
0x1d: {  	s5 =	simm.s32 @p1 $0x1;
	p0 =	seq.s32 s7, s2  }
0x1e: {  	s7 =	smul.u32 @!p0 $0xF7A, s2;
	p2 =	seq.s32 @!p0 s5, $0x0  }
0x1f: {  	s9 =	smul.u32 $0xF7A, s1;
	s8 =	simm.s32 @!p0 $0x1BF5;
	p2 =	por !p2, p0  }
0x20: {  	[sflag:s8] =	ssyncset.s32 @!p0 $0xFFFFF086;
	s6 =	sadd.s32 @!p0 s3, s7;
	s7 =	simm.s32 @!p0 $0x108  }
0x21: {  	s3 =	sadd.s32 s3, s9;
	s6 =	sadd.s32 @!p0 $0x88, s6;
	s7 =	simm.s32 @p2 $0x1082  }
0x22: {  	[simem:s7], [sflag:s8] =	dma.local @!p0 [hbm:s6], $0xF7A  }
0x23: {  	s9 =	sor.u32 $0xD0000000, s2;
	s6 =	simm.s32 $0x108;
	_ =	swait.ge @!p0 [sflag:s8], $0x0  }
0x24: {  	s3 =	sadd.s32 $0x88, s3;
	s6 =	simm.s32 @!p1 $0x1082;
	[sflag:s4] =	ssyncset.s32 $0xFFFFF086  }
0x25: {  	[simem:s6], [sflag:s4] =	dma.local [hbm:s3], $0xF7A  }
0x26: {  	[smem:$0x3F99] =	sst s1;
	(tag) =	ssettag s2;
	_ =	strace s9  }
0x27: {  	s1 =	sld [smem:$0x3FA9]  }
0x28: {  	s2 =	sld [smem:$0x3FAA]  }
0x29: {  	s4 =	sld [smem:$0x3FAC]  }
0x2a: {  	p0 =	seq.s32 s5, $0x0;
	s5 =	sld [smem:$0x3FAD]  }
0x2b: {  	s6 =	sld [smem:$0x3FAE]  }
0x2c: {  	s7 =	sld [smem:$0x3FAF]  }
0x2d: {  	s3 =	simm.s32 $0x108;
	s8 =	sld [smem:$0x3FB0]  }
0x2e: {  	s3 =	simm.s32 @!p0 $0x1082;
	s9 =	sld [smem:$0x3FB1]  }
0x2f: {  	lr =	sadd.s32 s0, s3;
	s0 =	sld [smem:$0x3FA8]  }
0x30: {  	s3 =	sld [smem:$0x3FAB]  }
0x31: {  	[smem:$0x3FB4] =	sst s10  }
0x32: {  	s10 =	sld [smem:$0x3FB2];
	_ =	sdelay $0x3  }
0x33: {  	p0 =	seq.s32 s10, $0x1;
	s10 =	sld [smem:$0x3FB4];
	_ =	sdelay $0x3  }
0x34: {  	[smem:$0x3FB4] =	sst s10  }
0x35: {  	s10 =	sld [smem:$0x3FB3];
	_ =	sdelay $0x3  }
0x36: {  	p1 =	seq.s32 s10, $0x1;
	s10 =	sld [smem:$0x3FB4];
	_ =	sdelay $0x3  }
0x37: {  	[smem:$0x3FB4] =	sst s10  }
0x38: {  	s10 =	sld [smem:$0x3FB5]  }
0x39: {  	_ = 	snop;
	(pc) =	sbr.ind lr, $3  }
0x3a: {  	_ = 	snop  }
0x3b: {  	_ = 	snop  }
0x3c: {  	p2 =	seq.s32 s10, $0x1;
	s10 =	sld [smem:$0x3FB4]  }
0x3d: {  	_ =	shalt  }
0x3e: {  	_ =	shalt  }
0x3f: {  	_ =	shalt  }
0x40: {  	_ =	shalt  }
0x41: {  	_ =	shalt  }
0x42: {  	_ =	shalt  }
0x43: {  	_ =	shalt  }
0x44: {  	_ =	shalt  }
0x45: {  	_ =	shalt  }
0x46: {  	_ =	shalt  }
0x47: {  	_ =	shalt  }
0x48: {  	_ =	shalt  }
0x49: {  	_ =	shalt  }
0x4a: {  	_ =	shalt  }
0x4b: {  	_ =	shalt  }
0x4c: {  	_ =	shalt  }
0x4d: {  	_ =	shalt  }
0x4e: {  	_ =	shalt  }
0x4f: {  	_ =	shalt  }
0x50: {  	_ =	shalt  }
0x51: {  	_ =	shalt  }
0x52: {  	_ =	shalt  }
0x53: {  	_ =	shalt  }
0x54: {  	_ =	shalt  }
0x55: {  	_ =	shalt  }
0x56: {  	_ =	shalt  }
0x57: {  	_ =	shalt  }
0x58: {  	_ =	shalt  }
0x59: {  	_ =	shalt  }
0x5a: {  	_ =	shalt  }
0x5b: {  	_ =	shalt  }
0x5c: {  	_ =	shalt  }
0x5d: {  	_ =	shalt  }
0x5e: {  	_ =	shalt  }
0x5f: {  	_ =	shalt  }
0x60: {  	_ =	shalt  }
0x61: {  	_ =	shalt  }
0x62: {  	_ =	shalt  }
0x63: {  	_ =	shalt  }
0x64: {  	_ =	shalt  }
0x65: {  	_ =	shalt  }
0x66: {  	_ =	shalt  }
0x67: {  	_ =	shalt  }
0x68: {  	_ =	shalt  }
0x69: {  	_ =	shalt  }
0x6a: {  	_ =	shalt  }
0x6b: {  	_ =	shalt  }
0x6c: {  	_ =	shalt  }
0x6d: {  	_ =	shalt  }
0x6e: {  	_ =	shalt  }
0x6f: {  	_ =	shalt  }
0x70: {  	_ =	shalt  }
0x71: {  	_ =	shalt  }
0x72: {  	_ =	shalt  }
0x73: {  	_ =	shalt  }
0x74: {  	_ =	shalt  }
0x75: {  	_ =	shalt  }
0x76: {  	_ =	shalt  }
0x77: {  	_ =	shalt  }
0x78: {  	_ =	shalt  }
0x79: {  	_ =	shalt  }
0x7a: {  	_ =	shalt  }
0x7b: {  	_ =	shalt  }
0x7c: {  	_ =	shalt  }
0x7d: {  	_ =	shalt  }
0x7e: {  	_ =	shalt  }
0x7f: {  	_ =	shalt  }
0x80: {  	_ =	shalt  }
0x81: {  	_ =	shalt  }
0x82: {  	_ =	shalt  }
0x83: {  	_ =	shalt  }
0x84: {  	_ =	shalt  }
0x85: {  	_ =	shalt  }
0x86: {  	_ =	shalt  }
0x87: {  	_ =	shalt  }
.Lfunc_end0:
.L_simem_size_0:
called_computation.1_lowered:
.L_overlay_start_0:
0x88: {  	s2 =	sld [smem:$0x3FD9]  }
0x89: {  	s3 =	sld [smem:$0x3FFE];
	_ =	sdelay $0x1  }
0x8a: {  	s1 =	srdreg.scid  }
0x8b: {  	s0 =	sand.u32 $0x1, s1  }
0x8c: {  	s14 =	sshll.u32 s0, $0xA;
	s2 =	sadd.s32 s3, s2  }
0x8d: {  	s2 =	sadd.s32 s2, s14  }
0x8e: {  	[smem:$0x3FC0] =	sst s2  }
0x8f: {  	_ = 	snop  }
0x90: {  	s2 =	sld [smem:$0x3FD0];
	_ =	sdelay $0x2  }
0x91: {  	s15 =	simm.s32 $0xA;
	s4 =	simm.s32 $0x10  }
0x92: {  	[smem:s4], [sflag:s15] =	dma.local [hbm:s2], $0x1  }
0x93: {  	_ =	swait.eq [sflag:s15], $0x1  }
0x94: {  	[sflag:s15] =	ssyncset.done $0x0  }
0x95: {  	s16 =	sld [smem:$0x10];
	[sflag:s15] =	ssyncadd.s32 $0xFFFFFFFF  }
0x96: {  	s17 =	sld [smem:$0x11];
	(tm) =	ssettm $0x1  }
0x97: {  	s18 =	sld [smem:$0x3FFB];
	_ =	sdelay $0x3  }
0x98: {  	_ =	strace s18  }
0x99: {  	s4 =	sld [smem:$0x3FFC];
	_ =	sdelay $0x3  }
0x9a: {  	_ =	strace s4  }
0x9b: {  	s4 =	sld [smem:$0x3FFD];
	_ =	sdelay $0x3  }
0x9c: {  	_ =	strace s4  }
0x9d: {  	_ =	strace $0x8FFFFFFF  }
0x9e: {  	s19 =	sld [smem:$0x3FDB];
	_ =	sdelay $0x1  }
0x9f: {  	s5 =	simm.s32 $_scs_section_size  }
0xa0: {  	s6 =	simm.s32 $_size__tile_overlayer_lowered;
	s7 =	simm.s32 $_tile_overlayer_lowered  }
0xa1: {  	s22 =	simm.s32 $0x1BFF;
	s21 =	sshll.u32 s7, $0x1;
	s4 =	sadd.s32 s5, s19  }
0xa2: {  	s8 =	simm.s32 $0x0;
	s20 =	sshll.u32 s6, $0x1;
	s6 =	sadd.s32 s21, s4  }
0xa3: {  	[timem:s8], [sflag:s22] =	dma.local [hbm:s6], s20  }
0xa4: {  	_ =	swait.ge [sflag:s22], s20  }
0xa5: {  	s5 =	ssub.s32 $0x0, s20;
	[sflag:s22] =	ssyncset.done $0x0  }
0xa6: {  	[sflag:s22] =	ssyncadd.s32 s5;
	_ =	sdelay $0x1  }
0xa7: {  	s23 =	simm.s32 $0x1B8B  }
0xa8: {  	_ =	swait.ge [sflag:s23], $0x1  }
0xa9: {  	[sflag:s23] =	ssyncset.done $0x0  }
0xaa: {  	s25 =	simm.s32 $0x1B8E;
	s24 =	sld [smem:$0x3FFE];
	[sflag:s23] =	ssyncadd.s32 $0xFFFFFFFF  }
0xab: {  	s26 =	simm.s32 $execute0_lowered;
	[smem:$0x3FD2] =	sst s25  }
0xac: {  	s6 =	sshll.u32 s26, $0x1;
	_ =	strace $0x80000049;
	[dreg:$0x1] =	wrdreg $0xFFFFFFFF  }
0xad: {  	s28 =	simm.s32 $_size_execute0_lowered;
	s4 =	sadd.s32 s4, s6;
	[dreg:$0x0] =	wrdreg $0x0  }
0xae: {  	s6 =	sshll.u32 s28, $0x1;
	[dreg:$0x2] =	wrdreg s4  }
0xaf: {  	[dreg:$0x3] =	wrdreg s6  }
0xb0: {  	[dreg:$0x4] =	wrdreg $0xC0  }
0xb1: {  	_ =	task [dreg:s8], $0x5FFFF  }
0xb2: {  	[dreg:$0x1] =	wrdreg $0xFFFFFFFF  }
0xb3: {  	[dreg:$0x0] =	wrdreg $0x60  }
0xb4: {  	[dreg:$0x2] =	wrdreg s16  }
0xb5: {  	[dreg:$0x3] =	wrdreg s17  }
0xb6: {  	[dreg:$0x4] =	wrdreg s24  }
0xb7: {  	[dreg:$0x5] =	wrdreg $0x52000  }
0xb8: {  	[dreg:$0x6] =	wrdreg $0x9  }
0xb9: {  	_ =	task.clear_ibuf [dreg:s8], $0x7FFFF;
	_ =	strace $0x90000049  }
0xba: {  	s29 =	simm.s32 $0x9;
	_ =	strace $0x8000004B  }
0xbb: {  	_ =	swait.ge [sflag:s29], $0x1  }
0xbc: {  	[sflag:s29] =	ssyncadd.s32 $0xFFFFFFFF  }
0xbd: {  	_ =	strace $0x9000004B  }
0xbe: {  	_ =	sfence  }
0xbf: {  	s30 =	sld [smem:$0x0];
	_ =	sdelay $0x2  }
0xc0: {  	s31 =	sshll.u32 s1, $0xD;
	s1 =	sshrl.u32 s1, $0x2  }
0xc1: {  	s3 =	sand.u32 $0x4000, s31;
	s1 =	sadd.s32 s1, s30  }
0xc2: {  	s0 =	sor.u32 s3, s0;
	s1 =	sshll.u32 s1, $0x11  }
0xc3: {  	s0 =	sor.u32 s1, s0  }
0xc4: {  	s0 =	sadd.s32 $0x8F2B, s0  }
0xc5: {  	[sflag:s0] =	ssyncadd.remote.s32 $0x1  }
0xc6: {  	_ =	sfence.sel $0xFFFF  }
0xc7: {  	[dreg:$0x0] =	wrdreg $0xFFFFFFFF;
	(pc) =	sbr.abs _section_cstart, $3  }
0xc8: {  	[dreg:$0x1] =	wrdreg $0xFFFFFFFF  }
0xc9: {  	_ =	task.clear_ibuf [dreg:s8], $0x2FFFF;
	_ =	strace $0x9FFFFFFF  }
0xca: {  	(tm) =	ssettm $0x7FFFFFFF  }
0xcb: {  	_ =	shalt  }
tec
execute0_lowered:
.L_overlay_start_1:
0x0: {  	(tag) =	ssettag $0x1  }
0x1: {  	s1 =	rddreg [dreg:$0x0]  }
0x2: {  	s2 =	rddreg [dreg:$0x1]  }
0x3: {  	s0 =	rddreg [dreg:$0x2]  }
0x4: {  	s3 =	rddreg [dreg:$0x3];
	s4 =	srdreg.scid  }
0x5: {  	s5 =	simm.s32 $0x0;
	s17 =	stileid.u32;
	s31 =	simm.s32 $0x200  }
0x6: {  	s4 =	sand.u32 $0x1, s4;
	s8 =	sshll.u32 s17, $0x1;
	s9 =	smul.u32 $0x14000, s17  }
0x7: {  	s10 =	sadd.s32 $0x7A000, s0;
	[smem:$0x7FF] =	sst s5;
	s6 =	ssub.s32 $0x2, s4  }
0x8: {  	s7 =	sshrl.u32 s6, $0x1;
	s11 =	sor.u32 $0x2800, s9;
	s12 =	sadd.s32 $0x5000, s9  }
0x9: {  	s13 =	sadd.s32 $0x7800, s9;
	s15 =	sadd.s32 $0xA000, s9;
	s24 =	sadd.s32 $0xC800, s9  }
0xa: {  	s6 =	ssub.s32 s6, s7;
	s7 =	sor.u32 s4, s8;
	s8 =	smul.u32 $0x140000, s4  }
0xb: {  	s25 =	sadd.s32 $0xF000, s9;
	s26 =	sadd.s32 $0x11800, s9;
	s4 =	smul.u32 $0x2710, s4  }
0xc: {  	s7 =	smul.u32 $0x2710, s7;
	s9 =	sadd.s32 s8, s9;
	s14 =	sadd.s32 s8, s11  }
0xd: {  	s16 =	sadd.s32 s8, s12;
	s22 =	sadd.s32 s8, s13;
	s23 =	sadd.s32 s8, s15  }
0xe: {  	s28 =	sadd.s32 s8, s24;
	s24 =	sadd.s32 s24, s3;
	s9 =	sshrl.u32 s9, $0x3  }
0xf: {  	s19 =	sshrl.u32 s14, $0x3;
	s20 =	sshrl.u32 s16, $0x3;
	s9 =	sadd.s32 s10, s9  }
0x10: {  	s16 =	sshrl.u32 s28, $0x3;
	s21 =	sadd.s32 s10, s20;
	[dreg:$0x5] =	wrdreg s9  }
0x11: {  	s14 =	sshrl.u32 s23, $0x3;
	s18 =	sadd.s32 s10, s16;
	[dreg:$0x7] =	wrdreg s21  }
0x12: {  	s20 =	smul.u32 $0x4E20, s17;
	s9 =	sadd.s32 s10, s19;
	[dreg:$0xa] =	wrdreg s18  }
0x13: {  	s19 =	sadd.s32 s8, s25;
	s8 =	sadd.s32 s8, s26;
	s21 =	smul.u32 $0x50000, s17  }
0x14: {  	s25 =	sadd.s32 s25, s3;
	s26 =	sadd.s32 s26, s3;
	[dreg:$0x6] =	wrdreg s9  }
0x15: {  	s9 =	sshrl.u32 s22, $0x3;
	s8 =	sshrl.u32 s8, $0x3;
	s4 =	sadd.s32 s4, s20  }
0x16: {  	s22 =	sshrl.u32 s7, $0x3;
	s20 =	sadd.s32 s11, s3;
	s11 =	simm.s32 $0x2  }
0x17: {  	s9 =	sadd.s32 s10, s9;
	s8 =	sadd.s32 s10, s8;
	s7 =	sadd.s32 s1, s22  }
0x18: {  	s23 =	sshrl.u32 s21, $0x2;
	s21 =	sadd.s32 s12, s3;
	s28 =	sadd.s32 $0x50, s4  }
0x19: {  	s12 =	simm.s32 $0x0;
	[dreg:$0x8] =	wrdreg s9;
	s9 =	sadd.s32 s10, s14  }
0x1a: {  	[dreg:$0xc] =	wrdreg s8;
	s14 =	sadd.s32 $0x2E00, s0;
	s0 =	sadd.s32 $0x2800, s0  }
0x1b: {  	s18 =	sadd.s32 s23, s3;
	s23 =	sadd.s32 s15, s3;
	s15 =	sadd.s32 $0xA0, s4  }
0x1c: {  	s4 =	simm.s32 $0x100;
	[dreg:$0x9] =	wrdreg s9;
	s9 =	sshrl.u32 s19, $0x3  }
0x1d: {  	s8 =	simm.s32 $0x180;
	s19 =	smax.u32 s6, $0x1;
	s9 =	sadd.s32 s10, s9  }
0x1e: {  	s6 =	simm.s32 $0x50;
	s10 =	simm.s32 $0x2A00;
	[dreg:$0xb] =	wrdreg s9  }
0x1f: {  	s9 =	simm.s32 $0x1;
	_ =	strace $0x8000004A;
	[dreg:$0xd] =	wrdreg s0  }
0x20: {  	[dreg:$0xe] =	wrdreg s7;
	s0 =	sadd.s32 s2, s22;
	s22 =	sadd.s32 s13, s3  }
0x21: {  	s7 =	simm.s32 $0x80;
	[dreg:$0xf] =	wrdreg s0;
	s0 =	sshrl.u32 s28, $0x3  }
0x22: {  	s29 =	sadd.s32 s0, s2;
	s30 =	sadd.s32 s0, s1;
	s0 =	simm.s32 $0x3  }
.LBB2_1:
0x23: {  	s13 =	rddreg [dreg:$0xd]  }
0x24: {  	[tilespmem:s31], [sflag:$0x3] =	stream.linear.gather [hbm4b:s13+s5], $0x2800, $0x38;
	[tilespmem:$0x19200] =	vst v63  }
0x25: {  	_ =	swait.ge [sflag:s0], $0x2800  }
0x26: {  	[sflag:s0] =	ssyncset.done $0x0  }
0x27: {  	[sflag:s0] =	ssyncadd.s32 $0xFFFFD800  }
0x28: {  	[spmem:s18] =	stream.linear.scatter [tilespmem:s31], [sflag:$0x3], $0x2800, $0x38;
	[tilespmem:$0x19200] =	vst v63  }
0x29: {  	_ =	swait.ge [sflag:s0], $0x2800  }
0x2a: {  	[sflag:s0] =	ssyncset.done $0x0  }
0x2b: {  	[sflag:s0] =	ssyncadd.s32 $0xFFFFD800  }
0x2c: {  	[spmem:s20] =	stream.linear.scatter [tilespmem:s31], [sflag:$0x3], $0x2800, $0x38;
	[tilespmem:$0x19200] =	vst v63  }
0x2d: {  	_ =	swait.ge [sflag:s0], $0x2800  }
0x2e: {  	[sflag:s0] =	ssyncset.done $0x0  }
0x2f: {  	[sflag:s0] =	ssyncadd.s32 $0xFFFFD800  }
0x30: {  	[spmem:s21] =	stream.linear.scatter [tilespmem:s31], [sflag:$0x3], $0x2800, $0x38;
	[tilespmem:$0x19200] =	vst v63  }
0x31: {  	_ =	swait.ge [sflag:s0], $0x2800  }
0x32: {  	[sflag:s0] =	ssyncset.done $0x0  }
0x33: {  	[sflag:s0] =	ssyncadd.s32 $0xFFFFD800  }
0x34: {  	[spmem:s22] =	stream.linear.scatter [tilespmem:s31], [sflag:$0x3], $0x2800, $0x38;
	[tilespmem:$0x19200] =	vst v63  }
0x35: {  	_ =	swait.ge [sflag:s0], $0x2800  }
0x36: {  	[sflag:s0] =	ssyncset.done $0x0  }
0x37: {  	[sflag:s0] =	ssyncadd.s32 $0xFFFFD800  }
0x38: {  	[spmem:s23] =	stream.linear.scatter [tilespmem:s31], [sflag:$0x3], $0x2800, $0x38;
	[tilespmem:$0x19200] =	vst v63  }
0x39: {  	_ =	swait.ge [sflag:s0], $0x2800  }
0x3a: {  	[sflag:s0] =	ssyncset.done $0x0  }
0x3b: {  	[sflag:s0] =	ssyncadd.s32 $0xFFFFD800  }
0x3c: {  	[spmem:s24] =	stream.linear.scatter [tilespmem:s31], [sflag:$0x3], $0x2800, $0x38;
	[tilespmem:$0x19200] =	vst v63  }
0x3d: {  	_ =	swait.ge [sflag:s0], $0x2800  }
0x3e: {  	[sflag:s0] =	ssyncset.done $0x0  }
0x3f: {  	[sflag:s0] =	ssyncadd.s32 $0xFFFFD800  }
0x40: {  	[spmem:s25] =	stream.linear.scatter [tilespmem:s31], [sflag:$0x3], $0x2800, $0x38;
	[tilespmem:$0x19200] =	vst v63  }
0x41: {  	_ =	swait.ge [sflag:s0], $0x2800  }
0x42: {  	[sflag:s0] =	ssyncset.done $0x0  }
0x43: {  	[sflag:s0] =	ssyncadd.s32 $0xFFFFD800  }
0x44: {  	[spmem:s26] =	stream.linear.scatter [tilespmem:s31], [sflag:$0x3], $0x2800, $0x38;
	[tilespmem:$0x19200] =	vst v63  }
0x45: {  	_ =	swait.ge [sflag:s0], $0x2800  }
0x46: {  	[sflag:s0] =	ssyncset.done $0x0  }
0x47: {  	[sflag:s0] =	ssyncadd.s32 $0xFFFFD800  }
0x48: {  	[bflag:$0x0] =	sbarrier.arrive $0xFFFF  }
0x49: {  	s17 =	rddreg [dreg:$0xe]  }
0x4a: {  	[tilespmem:s5], [sflag:$0x3] =	stream.linear.gather [hbm4b:s17+s5], $0x50, $0x38;
	[tilespmem:$0x19200] =	vst v63  }
0x4b: {  	_ =	swait.ge [sflag:s0], $0x50  }
0x4c: {  	[sflag:s0] =	ssyncset.done $0x0  }
0x4d: {  	s16 =	rddreg [dreg:$0xf];
	[sflag:s0] =	ssyncadd.s32 $0xFFFFFFB0  }
0x4e: {  	[tilespmem:s4], [sflag:$0x3] =	stream.linear.gather [hbm4b:s16+s5], $0x50, $0x38;
	[tilespmem:$0x19200] =	vst v63  }
0x4f: {  	_ =	swait.ge [sflag:s0], $0x50  }
0x50: {  	[sflag:s0] =	ssyncset.done $0x0  }
0x51: {  	[sflag:s0] =	ssyncadd.s32 $0xFFFFFFB0  }
0x52: {  	[tilespmem:s31], [sflag:$0x1] =	stream.indirect.gather [hbm4b:s14+s6], $0x80, s5, s6, $0xb8;
	[tilespmem:$0x19200] =	vst v63  }
0x53: {  	s17 =	sadd.s32 $0x0, s30  }
0x54: {  	[tilespmem:s7], [sflag:$0x3] =	stream.linear.gather [hbm4b:s17+s5], $0x50, $0x38;
	[tilespmem:$0x19200] =	vst v63  }
0x55: {  	_ =	swait.ge [sflag:s0], $0x50  }
0x56: {  	[sflag:s0] =	ssyncset.done $0x0  }
0x57: {  	s16 =	sadd.s32 $0x0, s29;
	[sflag:s0] =	ssyncadd.s32 $0xFFFFFFB0  }
0x58: {  	[tilespmem:s8], [sflag:$0x3] =	stream.linear.gather [hbm4b:s16+s5], $0x50, $0x38;
	[tilespmem:$0x19200] =	vst v63  }
0x59: {  	_ =	swait.ge [sflag:s0], $0x50  }
0x5a: {  	[sflag:s0] =	ssyncset.done $0x0  }
0x5b: {  	[sflag:s0] =	ssyncadd.s32 $0xFFFFFFB0  }
0x5c: {  	_ =	swait.ge [sflag:s9], $0x2800  }
0x5d: {  	[sflag:s9] =	ssyncset.done $0x0  }
0x5e: {  	[sflag:s9] =	ssyncadd.s32 $0xFFFFD800  }
0x5f: {  	[tilespmem:s10], [sflag:$0x2] =	stream.indirect.gather [hbm4b:s14+s6], $0x80, s7, s6, $0xb8;
	[tilespmem:$0x19200] =	vst v63  }
0x60: {  	_ = 	snop  }
0x61: {  	[spmem:s3] =	stream.indirect.scatter.add.f32 [tilespmem:s31], [sflag:$0x3], $0x80, s4, s6, $0xb8;
	[tilespmem:$0x19200] =	vst v63  }
0x62: {  	_ =	swait.ge [sflag:s0], $0x2800  }
0x63: {  	s17 =	sshrl.u32 s15, $0x3;
	[sflag:s0] =	ssyncset.done $0x0  }
0x64: {  	s28 =	sadd.s32 s1, s17;
	[sflag:s0] =	ssyncadd.s32 $0xFFFFD800  }
0x65: {  	[tilespmem:s5], [sflag:$0x3] =	stream.linear.gather [hbm4b:s28+s5], $0x50, $0x38;
	[tilespmem:$0x19200] =	vst v63  }
0x66: {  	_ =	swait.ge [sflag:s0], $0x50  }
0x67: {  	[sflag:s0] =	ssyncset.done $0x0  }
0x68: {  	s13 =	sadd.s32 s2, s17;
	[sflag:s0] =	ssyncadd.s32 $0xFFFFFFB0  }
0x69: {  	[tilespmem:s4], [sflag:$0x3] =	stream.linear.gather [hbm4b:s13+s5], $0x50, $0x38;
	[tilespmem:$0x19200] =	vst v63  }
0x6a: {  	_ =	swait.ge [sflag:s0], $0x50  }
0x6b: {  	[sflag:s0] =	ssyncset.done $0x0  }
0x6c: {  	[sflag:s0] =	ssyncadd.s32 $0xFFFFFFB0  }
0x6d: {  	_ =	swait.ge [sflag:s11], $0x2800  }
0x6e: {  	[sflag:s11] =	ssyncset.done $0x0  }
0x6f: {  	[sflag:s11] =	ssyncadd.s32 $0xFFFFD800  }
0x70: {  	[tilespmem:s31], [sflag:$0x1] =	stream.indirect.gather [hbm4b:s14+s6], $0x80, s5, s6, $0xb8;
	[tilespmem:$0x19200] =	vst v63  }
0x71: {  	_ = 	snop  }
0x72: {  	[spmem:s3] =	stream.indirect.scatter.add.f32 [tilespmem:s10], [sflag:$0x3], $0x80, s8, s6, $0xb8;
	[tilespmem:$0x19200] =	vst v63  }
0x73: {  	_ =	swait.ge [sflag:s0], $0x2800  }
0x74: {  	s28 =	smov.u32 s15;
	s13 =	simm.s32 $0x14;
	[sflag:s0] =	ssyncset.done $0x0  }
.LBB2_2:
0x75: {  	p0 =	sne.s32 s13, $0x4C4;
	[sflag:s0] =	ssyncadd.s32 $0xFFFFD800;
	s28 =	sadd.s32 $0xA0, s28  }
0x76: {  	s16 =	sadd.s32 s13, s30;
	s17 =	smov.u32 s13;
	s13 =	sadd.s32 $0x14, s13  }
0x77: {  	[tilespmem:s7], [sflag:$0x3] =	stream.linear.gather [hbm4b:s16+s5], $0x50, $0x38;
	[tilespmem:$0x19200] =	vst v63  }
0x78: {  	_ =	swait.ge [sflag:s0], $0x50  }
0x79: {  	[sflag:s0] =	ssyncset.done $0x0  }
0x7a: {  	s16 =	sadd.s32 s17, s29;
	[sflag:s0] =	ssyncadd.s32 $0xFFFFFFB0  }
0x7b: {  	[tilespmem:s8], [sflag:$0x3] =	stream.linear.gather [hbm4b:s16+s5], $0x50, $0x38;
	[tilespmem:$0x19200] =	vst v63  }
0x7c: {  	_ =	swait.ge [sflag:s0], $0x50  }
0x7d: {  	[sflag:s0] =	ssyncset.done $0x0  }
0x7e: {  	[sflag:s0] =	ssyncadd.s32 $0xFFFFFFB0  }
0x7f: {  	_ =	swait.ge [sflag:s9], $0x2800  }
0x80: {  	[sflag:s9] =	ssyncset.done $0x0  }
0x81: {  	[sflag:s9] =	ssyncadd.s32 $0xFFFFD800  }
0x82: {  	[tilespmem:s10], [sflag:$0x2] =	stream.indirect.gather [hbm4b:s14+s6], $0x80, s7, s6, $0xb8;
	[tilespmem:$0x19200] =	vst v63  }
0x83: {  	_ = 	snop  }
0x84: {  	[spmem:s3] =	stream.indirect.scatter.add.f32 [tilespmem:s31], [sflag:$0x3], $0x80, s4, s6, $0xb8;
	[tilespmem:$0x19200] =	vst v63  }
0x85: {  	_ =	swait.ge [sflag:s0], $0x2800  }
0x86: {  	s16 =	sshrl.u32 s28, $0x3;
	[sflag:s0] =	ssyncset.done $0x0  }
0x87: {  	s17 =	sadd.s32 s1, s16;
	[sflag:s0] =	ssyncadd.s32 $0xFFFFD800  }
0x88: {  	[tilespmem:s5], [sflag:$0x3] =	stream.linear.gather [hbm4b:s17+s5], $0x50, $0x38;
	[tilespmem:$0x19200] =	vst v63  }
0x89: {  	_ =	swait.ge [sflag:s0], $0x50  }
0x8a: {  	[sflag:s0] =	ssyncset.done $0x0  }
0x8b: {  	s16 =	sadd.s32 s2, s16;
	[sflag:s0] =	ssyncadd.s32 $0xFFFFFFB0  }
0x8c: {  	[tilespmem:s4], [sflag:$0x3] =	stream.linear.gather [hbm4b:s16+s5], $0x50, $0x38;
	[tilespmem:$0x19200] =	vst v63  }
0x8d: {  	_ =	swait.ge [sflag:s0], $0x50  }
0x8e: {  	[sflag:s0] =	ssyncset.done $0x0  }
0x8f: {  	[sflag:s0] =	ssyncadd.s32 $0xFFFFFFB0  }
0x90: {  	_ =	swait.ge [sflag:s11], $0x2800  }
0x91: {  	[sflag:s11] =	ssyncset.done $0x0  }
0x92: {  	[sflag:s11] =	ssyncadd.s32 $0xFFFFD800  }
0x93: {  	[tilespmem:s31], [sflag:$0x1] =	stream.indirect.gather [hbm4b:s14+s6], $0x80, s5, s6, $0xb8;
	[tilespmem:$0x19200] =	vst v63  }
.Ltmp0:
0x94: {  	_ = 	snop;
	(pc) =	sbr.rel @p0 .LBB2_2-.Ltmp0, $4  }
0x95: {  	_ = 	snop  }
0x96: {  	[spmem:s3] =	stream.indirect.scatter.add.f32 [tilespmem:s10], [sflag:$0x3], $0x80, s8, s6, $0xb8;
	[tilespmem:$0x19200] =	vst v63  }
0x97: {  	_ =	swait.ge [sflag:s0], $0x2800  }
0x98: {  	[sflag:s0] =	ssyncset.done $0x0  }
0x99: {  	[sflag:s0] =	ssyncadd.s32 $0xFFFFD800  }
0x9a: {  	_ =	swait.ge [sflag:s9], $0x2800  }
0x9b: {  	[sflag:s9] =	ssyncset.done $0x0  }
0x9c: {  	[sflag:s9] =	ssyncadd.s32 $0xFFFFD800  }
0x9d: {  	[spmem:s3] =	stream.indirect.scatter.add.f32 [tilespmem:s31], [sflag:$0x3], $0x80, s4, s6, $0xb8;
	[tilespmem:$0x19200] =	vst v63  }
0x9e: {  	_ =	swait.ge [sflag:s0], $0x2800  }
0x9f: {  	[sflag:s0] =	ssyncset.done $0x0  }
0xa0: {  	[sflag:s0] =	ssyncadd.s32 $0xFFFFD800  }
0xa1: {  	[bflag:$0x0] =	sbarrier.arrive $0xFFFF  }
0xa2: {  	[tilespmem:s31], [sflag:$0x3] =	stream.linear.gather [spmem:s18], $0x2800, $0x38;
	[tilespmem:$0x19200] =	vst v63  }
0xa3: {  	_ =	swait.ge [sflag:s0], $0x2800  }
0xa4: {  	[sflag:s0] =	ssyncset.done $0x0  }
0xa5: {  	s13 =	rddreg [dreg:$0x5];
	[sflag:s0] =	ssyncadd.s32 $0xFFFFD800  }
0xa6: {  	[hbm4b:s13+s5] =	stream.linear.scatter [tilespmem:s31], [sflag:$0x3], $0x2800, $0x38;
	[tilespmem:$0x19200] =	vst v63  }
0xa7: {  	_ =	swait.ge [sflag:s0], $0x2800  }
0xa8: {  	[sflag:s0] =	ssyncset.done $0x0  }
0xa9: {  	[sflag:s0] =	ssyncadd.s32 $0xFFFFD800  }
0xaa: {  	[tilespmem:s31], [sflag:$0x3] =	stream.linear.gather [spmem:s20], $0x2800, $0x38;
	[tilespmem:$0x19200] =	vst v63  }
0xab: {  	_ =	swait.ge [sflag:s0], $0x2800  }
0xac: {  	[sflag:s0] =	ssyncset.done $0x0  }
0xad: {  	s28 =	rddreg [dreg:$0x6];
	[sflag:s0] =	ssyncadd.s32 $0xFFFFD800  }
0xae: {  	[hbm4b:s28+s5] =	stream.linear.scatter [tilespmem:s31], [sflag:$0x3], $0x2800, $0x38;
	[tilespmem:$0x19200] =	vst v63  }
0xaf: {  	_ =	swait.ge [sflag:s0], $0x2800  }
0xb0: {  	[sflag:s0] =	ssyncset.done $0x0  }
0xb1: {  	[sflag:s0] =	ssyncadd.s32 $0xFFFFD800  }
0xb2: {  	[tilespmem:s31], [sflag:$0x3] =	stream.linear.gather [spmem:s21], $0x2800, $0x38;
	[tilespmem:$0x19200] =	vst v63  }
0xb3: {  	_ =	swait.ge [sflag:s0], $0x2800  }
0xb4: {  	[sflag:s0] =	ssyncset.done $0x0  }
0xb5: {  	s16 =	rddreg [dreg:$0x7];
	[sflag:s0] =	ssyncadd.s32 $0xFFFFD800  }
0xb6: {  	[hbm4b:s16+s5] =	stream.linear.scatter [tilespmem:s31], [sflag:$0x3], $0x2800, $0x38;
	[tilespmem:$0x19200] =	vst v63  }
0xb7: {  	_ =	swait.ge [sflag:s0], $0x2800  }
0xb8: {  	[sflag:s0] =	ssyncset.done $0x0  }
0xb9: {  	[sflag:s0] =	ssyncadd.s32 $0xFFFFD800  }
0xba: {  	[tilespmem:s31], [sflag:$0x3] =	stream.linear.gather [spmem:s22], $0x2800, $0x38;
	[tilespmem:$0x19200] =	vst v63  }
0xbb: {  	_ =	swait.ge [sflag:s0], $0x2800  }
0xbc: {  	[sflag:s0] =	ssyncset.done $0x0  }
0xbd: {  	s17 =	rddreg [dreg:$0x8];
	[sflag:s0] =	ssyncadd.s32 $0xFFFFD800  }
0xbe: {  	[hbm4b:s17+s5] =	stream.linear.scatter [tilespmem:s31], [sflag:$0x3], $0x2800, $0x38;
	[tilespmem:$0x19200] =	vst v63  }
0xbf: {  	_ =	swait.ge [sflag:s0], $0x2800  }
0xc0: {  	[sflag:s0] =	ssyncset.done $0x0  }
0xc1: {  	[sflag:s0] =	ssyncadd.s32 $0xFFFFD800  }
0xc2: {  	[tilespmem:s31], [sflag:$0x3] =	stream.linear.gather [spmem:s23], $0x2800, $0x38;
	[tilespmem:$0x19200] =	vst v63  }
0xc3: {  	_ =	swait.ge [sflag:s0], $0x2800  }
0xc4: {  	[sflag:s0] =	ssyncset.done $0x0  }
0xc5: {  	s28 =	rddreg [dreg:$0x9];
	[sflag:s0] =	ssyncadd.s32 $0xFFFFD800  }
0xc6: {  	[hbm4b:s28+s5] =	stream.linear.scatter [tilespmem:s31], [sflag:$0x3], $0x2800, $0x38;
	[tilespmem:$0x19200] =	vst v63  }
0xc7: {  	_ =	swait.ge [sflag:s0], $0x2800  }
0xc8: {  	[sflag:s0] =	ssyncset.done $0x0  }
0xc9: {  	[sflag:s0] =	ssyncadd.s32 $0xFFFFD800  }
0xca: {  	[tilespmem:s31], [sflag:$0x3] =	stream.linear.gather [spmem:s24], $0x2800, $0x38;
	[tilespmem:$0x19200] =	vst v63  }
0xcb: {  	_ =	swait.ge [sflag:s0], $0x2800  }
0xcc: {  	[sflag:s0] =	ssyncset.done $0x0  }
0xcd: {  	s16 =	rddreg [dreg:$0xa];
	[sflag:s0] =	ssyncadd.s32 $0xFFFFD800  }
0xce: {  	[hbm4b:s16+s5] =	stream.linear.scatter [tilespmem:s31], [sflag:$0x3], $0x2800, $0x38;
	[tilespmem:$0x19200] =	vst v63  }
0xcf: {  	_ =	swait.ge [sflag:s0], $0x2800  }
0xd0: {  	[sflag:s0] =	ssyncset.done $0x0  }
0xd1: {  	[sflag:s0] =	ssyncadd.s32 $0xFFFFD800  }
0xd2: {  	[tilespmem:s31], [sflag:$0x3] =	stream.linear.gather [spmem:s25], $0x2800, $0x38;
	[tilespmem:$0x19200] =	vst v63  }
0xd3: {  	_ =	swait.ge [sflag:s0], $0x2800  }
0xd4: {  	[sflag:s0] =	ssyncset.done $0x0  }
0xd5: {  	s17 =	rddreg [dreg:$0xb];
	[sflag:s0] =	ssyncadd.s32 $0xFFFFD800  }
0xd6: {  	[hbm4b:s17+s5] =	stream.linear.scatter [tilespmem:s31], [sflag:$0x3], $0x2800, $0x38;
	[tilespmem:$0x19200] =	vst v63  }
0xd7: {  	_ =	swait.ge [sflag:s0], $0x2800  }
0xd8: {  	[sflag:s0] =	ssyncset.done $0x0  }
0xd9: {  	[sflag:s0] =	ssyncadd.s32 $0xFFFFD800  }
0xda: {  	[tilespmem:s31], [sflag:$0x3] =	stream.linear.gather [spmem:s26], $0x2800, $0x38;
	[tilespmem:$0x19200] =	vst v63  }
0xdb: {  	s12 =	sadd.s32 $0x1, s12;
	_ =	swait.ge [sflag:s0], $0x2800  }
0xdc: {  	p0 =	sne.s32 s12, s19;
	[sflag:s0] =	ssyncset.done $0x0  }
.Ltmp1:
0xdd: {  	s28 =	rddreg [dreg:$0xc];
	[sflag:s0] =	ssyncadd.s32 $0xFFFFD800;
	(pc) =	sbr.rel @p0 .LBB2_1-.Ltmp1, $4  }
0xde: {  	[hbm4b:s28+s5] =	stream.linear.scatter [tilespmem:s31], [sflag:$0x3], $0x2800, $0x38;
	[tilespmem:$0x19200] =	vst v63  }
0xdf: {  	_ =	swait.ge [sflag:s0], $0x2800  }
0xe0: {  	[sflag:s0] =	ssyncset.done $0x0  }
0xe1: {  	[sflag:s0] =	ssyncadd.s32 $0xFFFFD800  }
0xe2: {  	_ =	sfence.sel $0x180000  }
0xe3: {  	[bflag:$0x0] =	sbarrier.arrive $0xFFFF  }
0xe4: {  	_ =	strace $0x9000004A  }
0xe5: {  	s0 =	stileid.u32;
	[bflag:$0x2] =	sbarrier.arrive $0xFFFF  }
0xe6: {  	p0 =	sne.s32 s0, $0x0;
	s0 =	rddreg [dreg:$0x4]  }
0xe7: {  	s0 =	sadd.s32 @!p0 $0x100000, s0  }
0xe8: {  	[sflag:s0] =	ssyncadd.tile.s32 @!p0 $0x1;
	_ =	shalt  }
.Lfunc_end2:
_tile_overlayer_lowered:
.L_overlay_start_2:
0xe9: {  	(tag) =	ssettag $0x2  }
0xea: {  	s0 =	rddreg [dreg:$0x0];
	s2 =	stileid.u32  }
0xeb: {  	s1 =	rddreg [dreg:$0x1];
	p0 =	sne.s32 s2, $0x0  }
0xec: {  	s3 =	rddreg [dreg:$0x2];
	[bflag:$0x3] =	sbarrier.arrive $0xFFFF;
	s2 =	simm.s32 @!p0 $0x1C03  }
0xed: {  	[timem:s3], [sflag:s2] =	dma.local @!p0 [hbm:s0], s1  }
0xee: {  	s0 =	simm.s32 @!p0 $0x3  }
0xef: {  	_ =	swait.ge @!p0 [sflag:s0], s1  }
0xf0: {  	s1 =	ssub.s32 @!p0 $0x0, s1;
	[sflag:s0] =	ssyncset.done @!p0 $0x0  }
0xf1: {  	[sflag:s0] =	ssyncadd.s32 @!p0 s1  }
0xf2: {  	[bflag:$0x3] =	sbarrier.arrive $0xFFFF  }
0xf3: {  	_ =	shalt  }

// kernel: kernel.14.cloned.1.call-start
scs
__scs_entry_jumppad:
0x0: {  	(pc) =	sbr.rel $0x88, $3  }
0x1: {  	(tag) =	ssettag $0x0;
	lr =	simm.s32 $0x1  }
0x2: {  	[smem:$0x3F99] =	sst lr;
	_ =	strace $0xD0000000  }
0x3: {  	_ = 	snop  }
0x4: {  	_ = 	snop  }
0x5: {  	_ = 	snop  }
0x6: {  	_ = 	snop  }
0x7: {  	_ = 	snop  }
__scs_overlays_trampoline_lowered:
0x8: {  	[smem:$0x3FA8] =	sst s0  }
0x9: {  	[smem:$0x3FA9] =	sst s1  }
0xa: {  	[smem:$0x3FAA] =	sst s2  }
0xb: {  	[smem:$0x3FAB] =	sst s3  }
0xc: {  	[smem:$0x3FAC] =	sst s4  }
0xd: {  	[smem:$0x3FAD] =	sst s5  }
0xe: {  	[smem:$0x3FAE] =	sst s6  }
0xf: {  	[smem:$0x3FAF] =	sst s7  }
0x10: {  	[smem:$0x3FB0] =	sst s8  }
0x11: {  	[smem:$0x3FB1] =	sst s9;
	s0 =	simm.s32 @!p0 $0x0  }
0x12: {  	s1 =	sld [smem:$0x3F97];
	s0 =	simm.s32 @p0 $0x1  }
0x13: {  	[smem:$0x3FB2] =	sst s0;
	s0 =	simm.s32 @!p1 $0x0  }
0x14: {  	s2 =	sld [smem:$0x3F96];
	s0 =	simm.s32 @p1 $0x1  }
0x15: {  	[smem:$0x3FB3] =	sst s0;
	s0 =	simm.s32 @!p2 $0x0  }
0x16: {  	s3 =	sld [smem:$0x3FDB];
	s0 =	simm.s32 @p2 $0x1  }
0x17: {  	s4 =	simm.s32 $0x1BF5;
	[smem:$0x3FB5] =	sst s0  }
0x18: {  	s0 =	sld [smem:$0x3F98];
	_ =	swait.ge [sflag:s4], $0x0  }
0x19: {  	s7 =	sld [smem:$0x3F99]  }
0x1a: {  	s8 =	sadd.s32 $0xFFFFE003, lr  }
0x1b: {  	s9 =	sadd.s32 $0xFFFFFEF7, lr;
	s5 =	simm.s32 $0xFFFFFFFF;
	p2 =	slt.u32 s8, $0xFFFFF086  }
0x1c: {  	p1 =	slt.u32 s9, $0xF7A;
	s5 =	simm.s32 @!p2 $0x0  }
0x1d: {  	s5 =	simm.s32 @p1 $0x1;
	p0 =	seq.s32 s7, s2  }
0x1e: {  	s7 =	smul.u32 @!p0 $0xF7A, s2;
	p2 =	seq.s32 @!p0 s5, $0x0  }
0x1f: {  	s9 =	smul.u32 $0xF7A, s1;
	s8 =	simm.s32 @!p0 $0x1BF5;
	p2 =	por !p2, p0  }
0x20: {  	[sflag:s8] =	ssyncset.s32 @!p0 $0xFFFFF086;
	s6 =	sadd.s32 @!p0 s3, s7;
	s7 =	simm.s32 @!p0 $0x108  }
0x21: {  	s3 =	sadd.s32 s3, s9;
	s6 =	sadd.s32 @!p0 $0x88, s6;
	s7 =	simm.s32 @p2 $0x1082  }
0x22: {  	[simem:s7], [sflag:s8] =	dma.local @!p0 [hbm:s6], $0xF7A  }
0x23: {  	s9 =	sor.u32 $0xD0000000, s2;
	s6 =	simm.s32 $0x108;
	_ =	swait.ge @!p0 [sflag:s8], $0x0  }
0x24: {  	s3 =	sadd.s32 $0x88, s3;
	s6 =	simm.s32 @!p1 $0x1082;
	[sflag:s4] =	ssyncset.s32 $0xFFFFF086  }
0x25: {  	[simem:s6], [sflag:s4] =	dma.local [hbm:s3], $0xF7A  }
0x26: {  	[smem:$0x3F99] =	sst s1;
	(tag) =	ssettag s2;
	_ =	strace s9  }
0x27: {  	s1 =	sld [smem:$0x3FA9]  }
0x28: {  	s2 =	sld [smem:$0x3FAA]  }
0x29: {  	s4 =	sld [smem:$0x3FAC]  }
0x2a: {  	p0 =	seq.s32 s5, $0x0;
	s5 =	sld [smem:$0x3FAD]  }
0x2b: {  	s6 =	sld [smem:$0x3FAE]  }
0x2c: {  	s7 =	sld [smem:$0x3FAF]  }
0x2d: {  	s3 =	simm.s32 $0x108;
	s8 =	sld [smem:$0x3FB0]  }
0x2e: {  	s3 =	simm.s32 @!p0 $0x1082;
	s9 =	sld [smem:$0x3FB1]  }
0x2f: {  	lr =	sadd.s32 s0, s3;
	s0 =	sld [smem:$0x3FA8]  }
0x30: {  	s3 =	sld [smem:$0x3FAB]  }
0x31: {  	[smem:$0x3FB4] =	sst s10  }
0x32: {  	s10 =	sld [smem:$0x3FB2];
	_ =	sdelay $0x3  }
0x33: {  	p0 =	seq.s32 s10, $0x1;
	s10 =	sld [smem:$0x3FB4];
	_ =	sdelay $0x3  }
0x34: {  	[smem:$0x3FB4] =	sst s10  }
0x35: {  	s10 =	sld [smem:$0x3FB3];
	_ =	sdelay $0x3  }
0x36: {  	p1 =	seq.s32 s10, $0x1;
	s10 =	sld [smem:$0x3FB4];
	_ =	sdelay $0x3  }
0x37: {  	[smem:$0x3FB4] =	sst s10  }
0x38: {  	s10 =	sld [smem:$0x3FB5]  }
0x39: {  	_ = 	snop;
	(pc) =	sbr.ind lr, $3  }
0x3a: {  	_ = 	snop  }
0x3b: {  	_ = 	snop  }
0x3c: {  	p2 =	seq.s32 s10, $0x1;
	s10 =	sld [smem:$0x3FB4]  }
0x3d: {  	_ =	shalt  }
0x3e: {  	_ =	shalt  }
0x3f: {  	_ =	shalt  }
0x40: {  	_ =	shalt  }
0x41: {  	_ =	shalt  }
0x42: {  	_ =	shalt  }
0x43: {  	_ =	shalt  }
0x44: {  	_ =	shalt  }
0x45: {  	_ =	shalt  }
0x46: {  	_ =	shalt  }
0x47: {  	_ =	shalt  }
0x48: {  	_ =	shalt  }
0x49: {  	_ =	shalt  }
0x4a: {  	_ =	shalt  }
0x4b: {  	_ =	shalt  }
0x4c: {  	_ =	shalt  }
0x4d: {  	_ =	shalt  }
0x4e: {  	_ =	shalt  }
0x4f: {  	_ =	shalt  }
0x50: {  	_ =	shalt  }
0x51: {  	_ =	shalt  }
0x52: {  	_ =	shalt  }
0x53: {  	_ =	shalt  }
0x54: {  	_ =	shalt  }
0x55: {  	_ =	shalt  }
0x56: {  	_ =	shalt  }
0x57: {  	_ =	shalt  }
0x58: {  	_ =	shalt  }
0x59: {  	_ =	shalt  }
0x5a: {  	_ =	shalt  }
0x5b: {  	_ =	shalt  }
0x5c: {  	_ =	shalt  }
0x5d: {  	_ =	shalt  }
0x5e: {  	_ =	shalt  }
0x5f: {  	_ =	shalt  }
0x60: {  	_ =	shalt  }
0x61: {  	_ =	shalt  }
0x62: {  	_ =	shalt  }
0x63: {  	_ =	shalt  }
0x64: {  	_ =	shalt  }
0x65: {  	_ =	shalt  }
0x66: {  	_ =	shalt  }
0x67: {  	_ =	shalt  }
0x68: {  	_ =	shalt  }
0x69: {  	_ =	shalt  }
0x6a: {  	_ =	shalt  }
0x6b: {  	_ =	shalt  }
0x6c: {  	_ =	shalt  }
0x6d: {  	_ =	shalt  }
0x6e: {  	_ =	shalt  }
0x6f: {  	_ =	shalt  }
0x70: {  	_ =	shalt  }
0x71: {  	_ =	shalt  }
0x72: {  	_ =	shalt  }
0x73: {  	_ =	shalt  }
0x74: {  	_ =	shalt  }
0x75: {  	_ =	shalt  }
0x76: {  	_ =	shalt  }
0x77: {  	_ =	shalt  }
0x78: {  	_ =	shalt  }
0x79: {  	_ =	shalt  }
0x7a: {  	_ =	shalt  }
0x7b: {  	_ =	shalt  }
0x7c: {  	_ =	shalt  }
0x7d: {  	_ =	shalt  }
0x7e: {  	_ =	shalt  }
0x7f: {  	_ =	shalt  }
0x80: {  	_ =	shalt  }
0x81: {  	_ =	shalt  }
0x82: {  	_ =	shalt  }
0x83: {  	_ =	shalt  }
0x84: {  	_ =	shalt  }
0x85: {  	_ =	shalt  }
0x86: {  	_ =	shalt  }
0x87: {  	_ =	shalt  }
.Lfunc_end0:
.L_simem_size_0:
called_computation.2_lowered:
.L_overlay_start_0:
0x88: {  	s2 =	sld [smem:$0x3FD9]  }
0x89: {  	s3 =	sld [smem:$0x3FFE];
	_ =	sdelay $0x1  }
0x8a: {  	s1 =	srdreg.scid  }
0x8b: {  	s0 =	sand.u32 $0x1, s1  }
0x8c: {  	s14 =	sshll.u32 s0, $0xA;
	s2 =	sadd.s32 s3, s2  }
0x8d: {  	s2 =	sadd.s32 s2, s14  }
0x8e: {  	[smem:$0x3FC0] =	sst s2  }
0x8f: {  	_ = 	snop  }
0x90: {  	s2 =	sld [smem:$0x3FD0];
	_ =	sdelay $0x2  }
0x91: {  	s15 =	simm.s32 $0xA;
	s4 =	simm.s32 $0x10  }
0x92: {  	[smem:s4], [sflag:s15] =	dma.local [hbm:s2], $0x1  }
0x93: {  	_ =	swait.eq [sflag:s15], $0x1  }
0x94: {  	[sflag:s15] =	ssyncset.done $0x0  }
0x95: {  	s16 =	sld [smem:$0x10];
	[sflag:s15] =	ssyncadd.s32 $0xFFFFFFFF  }
0x96: {  	s17 =	sld [smem:$0x11];
	(tm) =	ssettm $0x1  }
0x97: {  	s18 =	sld [smem:$0x3FFB];
	_ =	sdelay $0x3  }
0x98: {  	_ =	strace s18  }
0x99: {  	s4 =	sld [smem:$0x3FFC];
	_ =	sdelay $0x3  }
0x9a: {  	_ =	strace s4  }
0x9b: {  	s4 =	sld [smem:$0x3FFD];
	_ =	sdelay $0x3  }
0x9c: {  	_ =	strace s4  }
0x9d: {  	_ =	strace $0x8FFFFFFF  }
0x9e: {  	s19 =	sld [smem:$0x3FDB];
	_ =	sdelay $0x1  }
0x9f: {  	s5 =	simm.s32 $_scs_section_size  }
0xa0: {  	s6 =	simm.s32 $_size__tile_overlayer_lowered;
	s7 =	simm.s32 $_tile_overlayer_lowered  }
0xa1: {  	s22 =	simm.s32 $0x1BFF;
	s21 =	sshll.u32 s7, $0x1;
	s4 =	sadd.s32 s5, s19  }
0xa2: {  	s8 =	simm.s32 $0x0;
	s20 =	sshll.u32 s6, $0x1;
	s6 =	sadd.s32 s21, s4  }
0xa3: {  	[timem:s8], [sflag:s22] =	dma.local [hbm:s6], s20  }
0xa4: {  	_ =	swait.ge [sflag:s22], s20  }
0xa5: {  	s5 =	ssub.s32 $0x0, s20;
	[sflag:s22] =	ssyncset.done $0x0  }
0xa6: {  	[sflag:s22] =	ssyncadd.s32 s5;
	_ =	sdelay $0x1  }
0xa7: {  	s23 =	simm.s32 $0x1B8B  }
0xa8: {  	_ =	swait.ge [sflag:s23], $0x1  }
0xa9: {  	[sflag:s23] =	ssyncset.done $0x0  }
0xaa: {  	s25 =	simm.s32 $0x1B8E;
	s24 =	sld [smem:$0x3FFE];
	[sflag:s23] =	ssyncadd.s32 $0xFFFFFFFF  }
0xab: {  	s26 =	simm.s32 $execute0_lowered;
	[smem:$0x3FD2] =	sst s25  }
0xac: {  	s6 =	sshll.u32 s26, $0x1;
	_ =	strace $0x8000004C;
	[dreg:$0x1] =	wrdreg $0xFFFFFFFF  }
0xad: {  	s28 =	simm.s32 $_size_execute0_lowered;
	s4 =	sadd.s32 s4, s6;
	[dreg:$0x0] =	wrdreg $0x0  }
0xae: {  	s6 =	sshll.u32 s28, $0x1;
	[dreg:$0x2] =	wrdreg s4  }
0xaf: {  	[dreg:$0x3] =	wrdreg s6  }
0xb0: {  	[dreg:$0x4] =	wrdreg $0xC0  }
0xb1: {  	_ =	task [dreg:s8], $0x5FFFF  }
0xb2: {  	[dreg:$0x1] =	wrdreg $0xFFFFFFFF  }
0xb3: {  	[dreg:$0x0] =	wrdreg $0x60  }
0xb4: {  	[dreg:$0x2] =	wrdreg s16  }
0xb5: {  	[dreg:$0x3] =	wrdreg s17  }
0xb6: {  	[dreg:$0x4] =	wrdreg s24  }
0xb7: {  	[dreg:$0x5] =	wrdreg $0x52000  }
0xb8: {  	[dreg:$0x6] =	wrdreg $0x9  }
0xb9: {  	_ =	task.clear_ibuf [dreg:s8], $0x7FFFF;
	_ =	strace $0x9000004C  }
0xba: {  	s29 =	simm.s32 $0x9;
	_ =	strace $0x8000004E  }
0xbb: {  	_ =	swait.ge [sflag:s29], $0x1  }
0xbc: {  	[sflag:s29] =	ssyncadd.s32 $0xFFFFFFFF  }
0xbd: {  	_ =	strace $0x9000004E  }
0xbe: {  	_ =	sfence  }
0xbf: {  	s30 =	sld [smem:$0x0];
	_ =	sdelay $0x2  }
0xc0: {  	s31 =	sshll.u32 s1, $0xD;
	s1 =	sshrl.u32 s1, $0x2  }
0xc1: {  	s3 =	sand.u32 $0x4000, s31;
	s1 =	sadd.s32 s1, s30  }
0xc2: {  	s0 =	sor.u32 s3, s0;
	s1 =	sshll.u32 s1, $0x11  }
0xc3: {  	s0 =	sor.u32 s1, s0  }
0xc4: {  	s0 =	sadd.s32 $0x8F2B, s0  }
0xc5: {  	[sflag:s0] =	ssyncadd.remote.s32 $0x1  }
0xc6: {  	_ =	sfence.sel $0xFFFF  }
0xc7: {  	[dreg:$0x0] =	wrdreg $0xFFFFFFFF;
	(pc) =	sbr.abs _section_cstart, $3  }
0xc8: {  	[dreg:$0x1] =	wrdreg $0xFFFFFFFF  }
0xc9: {  	_ =	task.clear_ibuf [dreg:s8], $0x2FFFF;
	_ =	strace $0x9FFFFFFF  }
0xca: {  	(tm) =	ssettm $0x7FFFFFFF  }
0xcb: {  	_ =	shalt  }
tec
execute0_lowered:
.L_overlay_start_1:
0x0: {  	(tag) =	ssettag $0x1  }
0x1: {  	s1 =	rddreg [dreg:$0x0]  }
0x2: {  	s2 =	rddreg [dreg:$0x1]  }
0x3: {  	s0 =	rddreg [dreg:$0x2]  }
0x4: {  	s3 =	rddreg [dreg:$0x3];
	s4 =	srdreg.scid  }
0x5: {  	s5 =	simm.s32 $0x0;
	s17 =	stileid.u32;
	s31 =	simm.s32 $0x200  }
0x6: {  	s4 =	sand.u32 $0x1, s4;
	s8 =	sshll.u32 s17, $0x1;
	s9 =	smul.u32 $0x14000, s17  }
0x7: {  	s10 =	sadd.s32 $0x7A000, s0;
	[smem:$0x7FF] =	sst s5;
	s6 =	ssub.s32 $0x2, s4  }
0x8: {  	s7 =	sshrl.u32 s6, $0x1;
	s11 =	sor.u32 $0x2800, s9;
	s12 =	sadd.s32 $0x5000, s9  }
0x9: {  	s13 =	sadd.s32 $0x7800, s9;
	s15 =	sadd.s32 $0xA000, s9;
	s24 =	sadd.s32 $0xC800, s9  }
0xa: {  	s6 =	ssub.s32 s6, s7;
	s7 =	sor.u32 s4, s8;
	s8 =	smul.u32 $0x140000, s4  }
0xb: {  	s25 =	sadd.s32 $0xF000, s9;
	s26 =	sadd.s32 $0x11800, s9;
	s4 =	smul.u32 $0x2710, s4  }
0xc: {  	s7 =	smul.u32 $0x2710, s7;
	s9 =	sadd.s32 s8, s9;
	s14 =	sadd.s32 s8, s11  }
0xd: {  	s16 =	sadd.s32 s8, s12;
	s22 =	sadd.s32 s8, s13;
	s23 =	sadd.s32 s8, s15  }
0xe: {  	s28 =	sadd.s32 s8, s24;
	s24 =	sadd.s32 s24, s3;
	s9 =	sshrl.u32 s9, $0x3  }
0xf: {  	s19 =	sshrl.u32 s14, $0x3;
	s20 =	sshrl.u32 s16, $0x3;
	s9 =	sadd.s32 s10, s9  }
0x10: {  	s16 =	sshrl.u32 s28, $0x3;
	s21 =	sadd.s32 s10, s20;
	[dreg:$0x5] =	wrdreg s9  }
0x11: {  	s14 =	sshrl.u32 s23, $0x3;
	s18 =	sadd.s32 s10, s16;
	[dreg:$0x7] =	wrdreg s21  }
0x12: {  	s20 =	smul.u32 $0x4E20, s17;
	s9 =	sadd.s32 s10, s19;
	[dreg:$0xa] =	wrdreg s18  }
0x13: {  	s19 =	sadd.s32 s8, s25;
	s8 =	sadd.s32 s8, s26;
	s21 =	smul.u32 $0x50000, s17  }
0x14: {  	s25 =	sadd.s32 s25, s3;
	s26 =	sadd.s32 s26, s3;
	[dreg:$0x6] =	wrdreg s9  }
0x15: {  	s9 =	sshrl.u32 s22, $0x3;
	s8 =	sshrl.u32 s8, $0x3;
	s4 =	sadd.s32 s4, s20  }
0x16: {  	s22 =	sshrl.u32 s7, $0x3;
	s20 =	sadd.s32 s11, s3;
	s11 =	simm.s32 $0x2  }
0x17: {  	s9 =	sadd.s32 s10, s9;
	s8 =	sadd.s32 s10, s8;
	s7 =	sadd.s32 s1, s22  }
0x18: {  	s23 =	sshrl.u32 s21, $0x2;
	s21 =	sadd.s32 s12, s3;
	s28 =	sadd.s32 $0x50, s4  }
0x19: {  	s12 =	simm.s32 $0x0;
	[dreg:$0x8] =	wrdreg s9;
	s9 =	sadd.s32 s10, s14  }
0x1a: {  	[dreg:$0xc] =	wrdreg s8;
	s14 =	sadd.s32 $0x2E00, s0;
	s0 =	sadd.s32 $0x2800, s0  }
0x1b: {  	s18 =	sadd.s32 s23, s3;
	s23 =	sadd.s32 s15, s3;
	s15 =	sadd.s32 $0xA0, s4  }
0x1c: {  	s4 =	simm.s32 $0x100;
	[dreg:$0x9] =	wrdreg s9;
	s9 =	sshrl.u32 s19, $0x3  }
0x1d: {  	s8 =	simm.s32 $0x180;
	s19 =	smax.u32 s6, $0x1;
	s9 =	sadd.s32 s10, s9  }
0x1e: {  	s6 =	simm.s32 $0x50;
	s10 =	simm.s32 $0x2A00;
	[dreg:$0xb] =	wrdreg s9  }
0x1f: {  	s9 =	simm.s32 $0x1;
	_ =	strace $0x8000004D;
	[dreg:$0xd] =	wrdreg s0  }
0x20: {  	[dreg:$0xe] =	wrdreg s7;
	s0 =	sadd.s32 s2, s22;
	s22 =	sadd.s32 s13, s3  }
0x21: {  	s7 =	simm.s32 $0x80;
	[dreg:$0xf] =	wrdreg s0;
	s0 =	sshrl.u32 s28, $0x3  }
0x22: {  	s29 =	sadd.s32 s0, s2;
	s30 =	sadd.s32 s0, s1;
	s0 =	simm.s32 $0x3  }
.LBB2_1:
0x23: {  	s13 =	rddreg [dreg:$0xd]  }
0x24: {  	[tilespmem:s31], [sflag:$0x3] =	stream.linear.gather [hbm4b:s13+s5], $0x2800, $0x38;
	[tilespmem:$0x19200] =	vst v63  }
0x25: {  	_ =	swait.ge [sflag:s0], $0x2800  }
0x26: {  	[sflag:s0] =	ssyncset.done $0x0  }
0x27: {  	[sflag:s0] =	ssyncadd.s32 $0xFFFFD800  }
0x28: {  	[spmem:s18] =	stream.linear.scatter [tilespmem:s31], [sflag:$0x3], $0x2800, $0x38;
	[tilespmem:$0x19200] =	vst v63  }
0x29: {  	_ =	swait.ge [sflag:s0], $0x2800  }
0x2a: {  	[sflag:s0] =	ssyncset.done $0x0  }
0x2b: {  	[sflag:s0] =	ssyncadd.s32 $0xFFFFD800  }
0x2c: {  	[spmem:s20] =	stream.linear.scatter [tilespmem:s31], [sflag:$0x3], $0x2800, $0x38;
	[tilespmem:$0x19200] =	vst v63  }
0x2d: {  	_ =	swait.ge [sflag:s0], $0x2800  }
0x2e: {  	[sflag:s0] =	ssyncset.done $0x0  }
0x2f: {  	[sflag:s0] =	ssyncadd.s32 $0xFFFFD800  }
0x30: {  	[spmem:s21] =	stream.linear.scatter [tilespmem:s31], [sflag:$0x3], $0x2800, $0x38;
	[tilespmem:$0x19200] =	vst v63  }
0x31: {  	_ =	swait.ge [sflag:s0], $0x2800  }
0x32: {  	[sflag:s0] =	ssyncset.done $0x0  }
0x33: {  	[sflag:s0] =	ssyncadd.s32 $0xFFFFD800  }
0x34: {  	[spmem:s22] =	stream.linear.scatter [tilespmem:s31], [sflag:$0x3], $0x2800, $0x38;
	[tilespmem:$0x19200] =	vst v63  }
0x35: {  	_ =	swait.ge [sflag:s0], $0x2800  }
0x36: {  	[sflag:s0] =	ssyncset.done $0x0  }
0x37: {  	[sflag:s0] =	ssyncadd.s32 $0xFFFFD800  }
0x38: {  	[spmem:s23] =	stream.linear.scatter [tilespmem:s31], [sflag:$0x3], $0x2800, $0x38;
	[tilespmem:$0x19200] =	vst v63  }
0x39: {  	_ =	swait.ge [sflag:s0], $0x2800  }
0x3a: {  	[sflag:s0] =	ssyncset.done $0x0  }
0x3b: {  	[sflag:s0] =	ssyncadd.s32 $0xFFFFD800  }
0x3c: {  	[spmem:s24] =	stream.linear.scatter [tilespmem:s31], [sflag:$0x3], $0x2800, $0x38;
	[tilespmem:$0x19200] =	vst v63  }
0x3d: {  	_ =	swait.ge [sflag:s0], $0x2800  }
0x3e: {  	[sflag:s0] =	ssyncset.done $0x0  }
0x3f: {  	[sflag:s0] =	ssyncadd.s32 $0xFFFFD800  }
0x40: {  	[spmem:s25] =	stream.linear.scatter [tilespmem:s31], [sflag:$0x3], $0x2800, $0x38;
	[tilespmem:$0x19200] =	vst v63  }
0x41: {  	_ =	swait.ge [sflag:s0], $0x2800  }
0x42: {  	[sflag:s0] =	ssyncset.done $0x0  }
0x43: {  	[sflag:s0] =	ssyncadd.s32 $0xFFFFD800  }
0x44: {  	[spmem:s26] =	stream.linear.scatter [tilespmem:s31], [sflag:$0x3], $0x2800, $0x38;
	[tilespmem:$0x19200] =	vst v63  }
0x45: {  	_ =	swait.ge [sflag:s0], $0x2800  }
0x46: {  	[sflag:s0] =	ssyncset.done $0x0  }
0x47: {  	[sflag:s0] =	ssyncadd.s32 $0xFFFFD800  }
0x48: {  	[bflag:$0x0] =	sbarrier.arrive $0xFFFF  }
0x49: {  	s17 =	rddreg [dreg:$0xe]  }
0x4a: {  	[tilespmem:s5], [sflag:$0x3] =	stream.linear.gather [hbm4b:s17+s5], $0x50, $0x38;
	[tilespmem:$0x19200] =	vst v63  }
0x4b: {  	_ =	swait.ge [sflag:s0], $0x50  }
0x4c: {  	[sflag:s0] =	ssyncset.done $0x0  }
0x4d: {  	s16 =	rddreg [dreg:$0xf];
	[sflag:s0] =	ssyncadd.s32 $0xFFFFFFB0  }
0x4e: {  	[tilespmem:s4], [sflag:$0x3] =	stream.linear.gather [hbm4b:s16+s5], $0x50, $0x38;
	[tilespmem:$0x19200] =	vst v63  }
0x4f: {  	_ =	swait.ge [sflag:s0], $0x50  }
0x50: {  	[sflag:s0] =	ssyncset.done $0x0  }
0x51: {  	[sflag:s0] =	ssyncadd.s32 $0xFFFFFFB0  }
0x52: {  	[tilespmem:s31], [sflag:$0x1] =	stream.indirect.gather [hbm4b:s14+s6], $0x80, s5, s6, $0xb8;
	[tilespmem:$0x19200] =	vst v63  }
0x53: {  	s17 =	sadd.s32 $0x0, s30  }
0x54: {  	[tilespmem:s7], [sflag:$0x3] =	stream.linear.gather [hbm4b:s17+s5], $0x50, $0x38;
	[tilespmem:$0x19200] =	vst v63  }
0x55: {  	_ =	swait.ge [sflag:s0], $0x50  }
0x56: {  	[sflag:s0] =	ssyncset.done $0x0  }
0x57: {  	s16 =	sadd.s32 $0x0, s29;
	[sflag:s0] =	ssyncadd.s32 $0xFFFFFFB0  }
0x58: {  	[tilespmem:s8], [sflag:$0x3] =	stream.linear.gather [hbm4b:s16+s5], $0x50, $0x38;
	[tilespmem:$0x19200] =	vst v63  }
0x59: {  	_ =	swait.ge [sflag:s0], $0x50  }
0x5a: {  	[sflag:s0] =	ssyncset.done $0x0  }
0x5b: {  	[sflag:s0] =	ssyncadd.s32 $0xFFFFFFB0  }
0x5c: {  	_ =	swait.ge [sflag:s9], $0x2800  }
0x5d: {  	[sflag:s9] =	ssyncset.done $0x0  }
0x5e: {  	[sflag:s9] =	ssyncadd.s32 $0xFFFFD800  }
0x5f: {  	[tilespmem:s10], [sflag:$0x2] =	stream.indirect.gather [hbm4b:s14+s6], $0x80, s7, s6, $0xb8;
	[tilespmem:$0x19200] =	vst v63  }
0x60: {  	_ = 	snop  }
0x61: {  	[spmem:s3] =	stream.indirect.scatter.add.f32 [tilespmem:s31], [sflag:$0x3], $0x80, s4, s6, $0xb8;
	[tilespmem:$0x19200] =	vst v63  }
0x62: {  	_ =	swait.ge [sflag:s0], $0x2800  }
0x63: {  	s17 =	sshrl.u32 s15, $0x3;
	[sflag:s0] =	ssyncset.done $0x0  }
0x64: {  	s28 =	sadd.s32 s1, s17;
	[sflag:s0] =	ssyncadd.s32 $0xFFFFD800  }
0x65: {  	[tilespmem:s5], [sflag:$0x3] =	stream.linear.gather [hbm4b:s28+s5], $0x50, $0x38;
	[tilespmem:$0x19200] =	vst v63  }
0x66: {  	_ =	swait.ge [sflag:s0], $0x50  }
0x67: {  	[sflag:s0] =	ssyncset.done $0x0  }
0x68: {  	s13 =	sadd.s32 s2, s17;
	[sflag:s0] =	ssyncadd.s32 $0xFFFFFFB0  }
0x69: {  	[tilespmem:s4], [sflag:$0x3] =	stream.linear.gather [hbm4b:s13+s5], $0x50, $0x38;
	[tilespmem:$0x19200] =	vst v63  }
0x6a: {  	_ =	swait.ge [sflag:s0], $0x50  }
0x6b: {  	[sflag:s0] =	ssyncset.done $0x0  }
0x6c: {  	[sflag:s0] =	ssyncadd.s32 $0xFFFFFFB0  }
0x6d: {  	_ =	swait.ge [sflag:s11], $0x2800  }
0x6e: {  	[sflag:s11] =	ssyncset.done $0x0  }
0x6f: {  	[sflag:s11] =	ssyncadd.s32 $0xFFFFD800  }
0x70: {  	[tilespmem:s31], [sflag:$0x1] =	stream.indirect.gather [hbm4b:s14+s6], $0x80, s5, s6, $0xb8;
	[tilespmem:$0x19200] =	vst v63  }
0x71: {  	_ = 	snop  }
0x72: {  	[spmem:s3] =	stream.indirect.scatter.add.f32 [tilespmem:s10], [sflag:$0x3], $0x80, s8, s6, $0xb8;
	[tilespmem:$0x19200] =	vst v63  }
0x73: {  	_ =	swait.ge [sflag:s0], $0x2800  }
0x74: {  	s28 =	smov.u32 s15;
	s13 =	simm.s32 $0x14;
	[sflag:s0] =	ssyncset.done $0x0  }
.LBB2_2:
0x75: {  	p0 =	sne.s32 s13, $0x4C4;
	[sflag:s0] =	ssyncadd.s32 $0xFFFFD800;
	s28 =	sadd.s32 $0xA0, s28  }
0x76: {  	s16 =	sadd.s32 s13, s30;
	s17 =	smov.u32 s13;
	s13 =	sadd.s32 $0x14, s13  }
0x77: {  	[tilespmem:s7], [sflag:$0x3] =	stream.linear.gather [hbm4b:s16+s5], $0x50, $0x38;
	[tilespmem:$0x19200] =	vst v63  }
0x78: {  	_ =	swait.ge [sflag:s0], $0x50  }
0x79: {  	[sflag:s0] =	ssyncset.done $0x0  }
0x7a: {  	s16 =	sadd.s32 s17, s29;
	[sflag:s0] =	ssyncadd.s32 $0xFFFFFFB0  }
0x7b: {  	[tilespmem:s8], [sflag:$0x3] =	stream.linear.gather [hbm4b:s16+s5], $0x50, $0x38;
	[tilespmem:$0x19200] =	vst v63  }
0x7c: {  	_ =	swait.ge [sflag:s0], $0x50  }
0x7d: {  	[sflag:s0] =	ssyncset.done $0x0  }
0x7e: {  	[sflag:s0] =	ssyncadd.s32 $0xFFFFFFB0  }
0x7f: {  	_ =	swait.ge [sflag:s9], $0x2800  }
0x80: {  	[sflag:s9] =	ssyncset.done $0x0  }
0x81: {  	[sflag:s9] =	ssyncadd.s32 $0xFFFFD800  }
0x82: {  	[tilespmem:s10], [sflag:$0x2] =	stream.indirect.gather [hbm4b:s14+s6], $0x80, s7, s6, $0xb8;
	[tilespmem:$0x19200] =	vst v63  }
0x83: {  	_ = 	snop  }
0x84: {  	[spmem:s3] =	stream.indirect.scatter.add.f32 [tilespmem:s31], [sflag:$0x3], $0x80, s4, s6, $0xb8;
	[tilespmem:$0x19200] =	vst v63  }
0x85: {  	_ =	swait.ge [sflag:s0], $0x2800  }
0x86: {  	s16 =	sshrl.u32 s28, $0x3;
	[sflag:s0] =	ssyncset.done $0x0  }
0x87: {  	s17 =	sadd.s32 s1, s16;
	[sflag:s0] =	ssyncadd.s32 $0xFFFFD800  }
0x88: {  	[tilespmem:s5], [sflag:$0x3] =	stream.linear.gather [hbm4b:s17+s5], $0x50, $0x38;
	[tilespmem:$0x19200] =	vst v63  }
0x89: {  	_ =	swait.ge [sflag:s0], $0x50  }
0x8a: {  	[sflag:s0] =	ssyncset.done $0x0  }
0x8b: {  	s16 =	sadd.s32 s2, s16;
	[sflag:s0] =	ssyncadd.s32 $0xFFFFFFB0  }
0x8c: {  	[tilespmem:s4], [sflag:$0x3] =	stream.linear.gather [hbm4b:s16+s5], $0x50, $0x38;
	[tilespmem:$0x19200] =	vst v63  }
0x8d: {  	_ =	swait.ge [sflag:s0], $0x50  }
0x8e: {  	[sflag:s0] =	ssyncset.done $0x0  }
0x8f: {  	[sflag:s0] =	ssyncadd.s32 $0xFFFFFFB0  }
0x90: {  	_ =	swait.ge [sflag:s11], $0x2800  }
0x91: {  	[sflag:s11] =	ssyncset.done $0x0  }
0x92: {  	[sflag:s11] =	ssyncadd.s32 $0xFFFFD800  }
0x93: {  	[tilespmem:s31], [sflag:$0x1] =	stream.indirect.gather [hbm4b:s14+s6], $0x80, s5, s6, $0xb8;
	[tilespmem:$0x19200] =	vst v63  }
.Ltmp0:
0x94: {  	_ = 	snop;
	(pc) =	sbr.rel @p0 .LBB2_2-.Ltmp0, $4  }
0x95: {  	_ = 	snop  }
0x96: {  	[spmem:s3] =	stream.indirect.scatter.add.f32 [tilespmem:s10], [sflag:$0x3], $0x80, s8, s6, $0xb8;
	[tilespmem:$0x19200] =	vst v63  }
0x97: {  	_ =	swait.ge [sflag:s0], $0x2800  }
0x98: {  	[sflag:s0] =	ssyncset.done $0x0  }
0x99: {  	[sflag:s0] =	ssyncadd.s32 $0xFFFFD800  }
0x9a: {  	_ =	swait.ge [sflag:s9], $0x2800  }
0x9b: {  	[sflag:s9] =	ssyncset.done $0x0  }
0x9c: {  	[sflag:s9] =	ssyncadd.s32 $0xFFFFD800  }
0x9d: {  	[spmem:s3] =	stream.indirect.scatter.add.f32 [tilespmem:s31], [sflag:$0x3], $0x80, s4, s6, $0xb8;
	[tilespmem:$0x19200] =	vst v63  }
0x9e: {  	_ =	swait.ge [sflag:s0], $0x2800  }
0x9f: {  	[sflag:s0] =	ssyncset.done $0x0  }
0xa0: {  	[sflag:s0] =	ssyncadd.s32 $0xFFFFD800  }
0xa1: {  	[bflag:$0x0] =	sbarrier.arrive $0xFFFF  }
0xa2: {  	[tilespmem:s31], [sflag:$0x3] =	stream.linear.gather [spmem:s18], $0x2800, $0x38;
	[tilespmem:$0x19200] =	vst v63  }
0xa3: {  	_ =	swait.ge [sflag:s0], $0x2800  }
0xa4: {  	[sflag:s0] =	ssyncset.done $0x0  }
0xa5: {  	s13 =	rddreg [dreg:$0x5];
	[sflag:s0] =	ssyncadd.s32 $0xFFFFD800  }
0xa6: {  	[hbm4b:s13+s5] =	stream.linear.scatter [tilespmem:s31], [sflag:$0x3], $0x2800, $0x38;
	[tilespmem:$0x19200] =	vst v63  }
0xa7: {  	_ =	swait.ge [sflag:s0], $0x2800  }
0xa8: {  	[sflag:s0] =	ssyncset.done $0x0  }
0xa9: {  	[sflag:s0] =	ssyncadd.s32 $0xFFFFD800  }
0xaa: {  	[tilespmem:s31], [sflag:$0x3] =	stream.linear.gather [spmem:s20], $0x2800, $0x38;
	[tilespmem:$0x19200] =	vst v63  }
0xab: {  	_ =	swait.ge [sflag:s0], $0x2800  }
0xac: {  	[sflag:s0] =	ssyncset.done $0x0  }
0xad: {  	s28 =	rddreg [dreg:$0x6];
	[sflag:s0] =	ssyncadd.s32 $0xFFFFD800  }
0xae: {  	[hbm4b:s28+s5] =	stream.linear.scatter [tilespmem:s31], [sflag:$0x3], $0x2800, $0x38;
	[tilespmem:$0x19200] =	vst v63  }
0xaf: {  	_ =	swait.ge [sflag:s0], $0x2800  }
0xb0: {  	[sflag:s0] =	ssyncset.done $0x0  }
0xb1: {  	[sflag:s0] =	ssyncadd.s32 $0xFFFFD800  }
0xb2: {  	[tilespmem:s31], [sflag:$0x3] =	stream.linear.gather [spmem:s21], $0x2800, $0x38;
	[tilespmem:$0x19200] =	vst v63  }
0xb3: {  	_ =	swait.ge [sflag:s0], $0x2800  }
0xb4: {  	[sflag:s0] =	ssyncset.done $0x0  }
0xb5: {  	s16 =	rddreg [dreg:$0x7];
	[sflag:s0] =	ssyncadd.s32 $0xFFFFD800  }
0xb6: {  	[hbm4b:s16+s5] =	stream.linear.scatter [tilespmem:s31], [sflag:$0x3], $0x2800, $0x38;
	[tilespmem:$0x19200] =	vst v63  }
0xb7: {  	_ =	swait.ge [sflag:s0], $0x2800  }
0xb8: {  	[sflag:s0] =	ssyncset.done $0x0  }
0xb9: {  	[sflag:s0] =	ssyncadd.s32 $0xFFFFD800  }
0xba: {  	[tilespmem:s31], [sflag:$0x3] =	stream.linear.gather [spmem:s22], $0x2800, $0x38;
	[tilespmem:$0x19200] =	vst v63  }
0xbb: {  	_ =	swait.ge [sflag:s0], $0x2800  }
0xbc: {  	[sflag:s0] =	ssyncset.done $0x0  }
0xbd: {  	s17 =	rddreg [dreg:$0x8];
	[sflag:s0] =	ssyncadd.s32 $0xFFFFD800  }
0xbe: {  	[hbm4b:s17+s5] =	stream.linear.scatter [tilespmem:s31], [sflag:$0x3], $0x2800, $0x38;
	[tilespmem:$0x19200] =	vst v63  }
0xbf: {  	_ =	swait.ge [sflag:s0], $0x2800  }
0xc0: {  	[sflag:s0] =	ssyncset.done $0x0  }
0xc1: {  	[sflag:s0] =	ssyncadd.s32 $0xFFFFD800  }
0xc2: {  	[tilespmem:s31], [sflag:$0x3] =	stream.linear.gather [spmem:s23], $0x2800, $0x38;
	[tilespmem:$0x19200] =	vst v63  }
0xc3: {  	_ =	swait.ge [sflag:s0], $0x2800  }
0xc4: {  	[sflag:s0] =	ssyncset.done $0x0  }
0xc5: {  	s28 =	rddreg [dreg:$0x9];
	[sflag:s0] =	ssyncadd.s32 $0xFFFFD800  }
0xc6: {  	[hbm4b:s28+s5] =	stream.linear.scatter [tilespmem:s31], [sflag:$0x3], $0x2800, $0x38;
	[tilespmem:$0x19200] =	vst v63  }
0xc7: {  	_ =	swait.ge [sflag:s0], $0x2800  }
0xc8: {  	[sflag:s0] =	ssyncset.done $0x0  }
0xc9: {  	[sflag:s0] =	ssyncadd.s32 $0xFFFFD800  }
0xca: {  	[tilespmem:s31], [sflag:$0x3] =	stream.linear.gather [spmem:s24], $0x2800, $0x38;
	[tilespmem:$0x19200] =	vst v63  }
0xcb: {  	_ =	swait.ge [sflag:s0], $0x2800  }
0xcc: {  	[sflag:s0] =	ssyncset.done $0x0  }
0xcd: {  	s16 =	rddreg [dreg:$0xa];
	[sflag:s0] =	ssyncadd.s32 $0xFFFFD800  }
0xce: {  	[hbm4b:s16+s5] =	stream.linear.scatter [tilespmem:s31], [sflag:$0x3], $0x2800, $0x38;
	[tilespmem:$0x19200] =	vst v63  }
0xcf: {  	_ =	swait.ge [sflag:s0], $0x2800  }
0xd0: {  	[sflag:s0] =	ssyncset.done $0x0  }
0xd1: {  	[sflag:s0] =	ssyncadd.s32 $0xFFFFD800  }
0xd2: {  	[tilespmem:s31], [sflag:$0x3] =	stream.linear.gather [spmem:s25], $0x2800, $0x38;
	[tilespmem:$0x19200] =	vst v63  }
0xd3: {  	_ =	swait.ge [sflag:s0], $0x2800  }
0xd4: {  	[sflag:s0] =	ssyncset.done $0x0  }
0xd5: {  	s17 =	rddreg [dreg:$0xb];
	[sflag:s0] =	ssyncadd.s32 $0xFFFFD800  }
0xd6: {  	[hbm4b:s17+s5] =	stream.linear.scatter [tilespmem:s31], [sflag:$0x3], $0x2800, $0x38;
	[tilespmem:$0x19200] =	vst v63  }
0xd7: {  	_ =	swait.ge [sflag:s0], $0x2800  }
0xd8: {  	[sflag:s0] =	ssyncset.done $0x0  }
0xd9: {  	[sflag:s0] =	ssyncadd.s32 $0xFFFFD800  }
0xda: {  	[tilespmem:s31], [sflag:$0x3] =	stream.linear.gather [spmem:s26], $0x2800, $0x38;
	[tilespmem:$0x19200] =	vst v63  }
0xdb: {  	s12 =	sadd.s32 $0x1, s12;
	_ =	swait.ge [sflag:s0], $0x2800  }
0xdc: {  	p0 =	sne.s32 s12, s19;
	[sflag:s0] =	ssyncset.done $0x0  }
.Ltmp1:
0xdd: {  	s28 =	rddreg [dreg:$0xc];
	[sflag:s0] =	ssyncadd.s32 $0xFFFFD800;
	(pc) =	sbr.rel @p0 .LBB2_1-.Ltmp1, $4  }
0xde: {  	[hbm4b:s28+s5] =	stream.linear.scatter [tilespmem:s31], [sflag:$0x3], $0x2800, $0x38;
	[tilespmem:$0x19200] =	vst v63  }
0xdf: {  	_ =	swait.ge [sflag:s0], $0x2800  }
0xe0: {  	[sflag:s0] =	ssyncset.done $0x0  }
0xe1: {  	[sflag:s0] =	ssyncadd.s32 $0xFFFFD800  }
0xe2: {  	_ =	sfence.sel $0x180000  }
0xe3: {  	[bflag:$0x0] =	sbarrier.arrive $0xFFFF  }
0xe4: {  	_ =	strace $0x9000004D  }
0xe5: {  	s0 =	stileid.u32;
	[bflag:$0x2] =	sbarrier.arrive $0xFFFF  }
0xe6: {  	p0 =	sne.s32 s0, $0x0;
	s0 =	rddreg [dreg:$0x4]  }
0xe7: {  	s0 =	sadd.s32 @!p0 $0x100000, s0  }
0xe8: {  	[sflag:s0] =	ssyncadd.tile.s32 @!p0 $0x1;
	_ =	shalt  }
.Lfunc_end2:
_tile_overlayer_lowered:
.L_overlay_start_2:
0xe9: {  	(tag) =	ssettag $0x2  }
0xea: {  	s0 =	rddreg [dreg:$0x0];
	s2 =	stileid.u32  }
0xeb: {  	s1 =	rddreg [dreg:$0x1];
	p0 =	sne.s32 s2, $0x0  }
0xec: {  	s3 =	rddreg [dreg:$0x2];
	[bflag:$0x3] =	sbarrier.arrive $0xFFFF;
	s2 =	simm.s32 @!p0 $0x1C03  }
0xed: {  	[timem:s3], [sflag:s2] =	dma.local @!p0 [hbm:s0], s1  }
0xee: {  	s0 =	simm.s32 @!p0 $0x3  }
0xef: {  	_ =	swait.ge @!p0 [sflag:s0], s1  }
0xf0: {  	s1 =	ssub.s32 @!p0 $0x0, s1;
	[sflag:s0] =	ssyncset.done @!p0 $0x0  }
0xf1: {  	[sflag:s0] =	ssyncadd.s32 @!p0 s1  }
0xf2: {  	[bflag:$0x3] =	sbarrier.arrive $0xFFFF  }
0xf3: {  	_ =	shalt  }

// kernel: kernel.8.cloned.1.call-start
scs
__scs_entry_jumppad:
0x0: {  	(pc) =	sbr.rel $0x88, $3  }
0x1: {  	(tag) =	ssettag $0x0;
	lr =	simm.s32 $0x1  }
0x2: {  	[smem:$0x3F99] =	sst lr;
	_ =	strace $0xD0000000  }
0x3: {  	_ = 	snop  }
0x4: {  	_ = 	snop  }
0x5: {  	_ = 	snop  }
0x6: {  	_ = 	snop  }
0x7: {  	_ = 	snop  }
__scs_overlays_trampoline_lowered:
0x8: {  	[smem:$0x3FA8] =	sst s0  }
0x9: {  	[smem:$0x3FA9] =	sst s1  }
0xa: {  	[smem:$0x3FAA] =	sst s2  }
0xb: {  	[smem:$0x3FAB] =	sst s3  }
0xc: {  	[smem:$0x3FAC] =	sst s4  }
0xd: {  	[smem:$0x3FAD] =	sst s5  }
0xe: {  	[smem:$0x3FAE] =	sst s6  }
0xf: {  	[smem:$0x3FAF] =	sst s7  }
0x10: {  	[smem:$0x3FB0] =	sst s8  }
0x11: {  	[smem:$0x3FB1] =	sst s9;
	s0 =	simm.s32 @!p0 $0x0  }
0x12: {  	s1 =	sld [smem:$0x3F97];
	s0 =	simm.s32 @p0 $0x1  }
0x13: {  	[smem:$0x3FB2] =	sst s0;
	s0 =	simm.s32 @!p1 $0x0  }
0x14: {  	s2 =	sld [smem:$0x3F96];
	s0 =	simm.s32 @p1 $0x1  }
0x15: {  	[smem:$0x3FB3] =	sst s0;
	s0 =	simm.s32 @!p2 $0x0  }
0x16: {  	s3 =	sld [smem:$0x3FDB];
	s0 =	simm.s32 @p2 $0x1  }
0x17: {  	s4 =	simm.s32 $0x1BF5;
	[smem:$0x3FB5] =	sst s0  }
0x18: {  	s0 =	sld [smem:$0x3F98];
	_ =	swait.ge [sflag:s4], $0x0  }
0x19: {  	s7 =	sld [smem:$0x3F99]  }
0x1a: {  	s8 =	sadd.s32 $0xFFFFE003, lr  }
0x1b: {  	s9 =	sadd.s32 $0xFFFFFEF7, lr;
	s5 =	simm.s32 $0xFFFFFFFF;
	p2 =	slt.u32 s8, $0xFFFFF086  }
0x1c: {  	p1 =	slt.u32 s9, $0xF7A;
	s5 =	simm.s32 @!p2 $0x0  }
0x1d: {  	s5 =	simm.s32 @p1 $0x1;
	p0 =	seq.s32 s7, s2  }
0x1e: {  	s7 =	smul.u32 @!p0 $0xF7A, s2;
	p2 =	seq.s32 @!p0 s5, $0x0  }
0x1f: {  	s9 =	smul.u32 $0xF7A, s1;
	s8 =	simm.s32 @!p0 $0x1BF5;
	p2 =	por !p2, p0  }
0x20: {  	[sflag:s8] =	ssyncset.s32 @!p0 $0xFFFFF086;
	s6 =	sadd.s32 @!p0 s3, s7;
	s7 =	simm.s32 @!p0 $0x108  }
0x21: {  	s3 =	sadd.s32 s3, s9;
	s6 =	sadd.s32 @!p0 $0x88, s6;
	s7 =	simm.s32 @p2 $0x1082  }
0x22: {  	[simem:s7], [sflag:s8] =	dma.local @!p0 [hbm:s6], $0xF7A  }
0x23: {  	s9 =	sor.u32 $0xD0000000, s2;
	s6 =	simm.s32 $0x108;
	_ =	swait.ge @!p0 [sflag:s8], $0x0  }
0x24: {  	s3 =	sadd.s32 $0x88, s3;
	s6 =	simm.s32 @!p1 $0x1082;
	[sflag:s4] =	ssyncset.s32 $0xFFFFF086  }
0x25: {  	[simem:s6], [sflag:s4] =	dma.local [hbm:s3], $0xF7A  }
0x26: {  	[smem:$0x3F99] =	sst s1;
	(tag) =	ssettag s2;
	_ =	strace s9  }
0x27: {  	s1 =	sld [smem:$0x3FA9]  }
0x28: {  	s2 =	sld [smem:$0x3FAA]  }
0x29: {  	s4 =	sld [smem:$0x3FAC]  }
0x2a: {  	p0 =	seq.s32 s5, $0x0;
	s5 =	sld [smem:$0x3FAD]  }
0x2b: {  	s6 =	sld [smem:$0x3FAE]  }
0x2c: {  	s7 =	sld [smem:$0x3FAF]  }
0x2d: {  	s3 =	simm.s32 $0x108;
	s8 =	sld [smem:$0x3FB0]  }
0x2e: {  	s3 =	simm.s32 @!p0 $0x1082;
	s9 =	sld [smem:$0x3FB1]  }
0x2f: {  	lr =	sadd.s32 s0, s3;
	s0 =	sld [smem:$0x3FA8]  }
0x30: {  	s3 =	sld [smem:$0x3FAB]  }
0x31: {  	[smem:$0x3FB4] =	sst s10  }
0x32: {  	s10 =	sld [smem:$0x3FB2];
	_ =	sdelay $0x3  }
0x33: {  	p0 =	seq.s32 s10, $0x1;
	s10 =	sld [smem:$0x3FB4];
	_ =	sdelay $0x3  }
0x34: {  	[smem:$0x3FB4] =	sst s10  }
0x35: {  	s10 =	sld [smem:$0x3FB3];
	_ =	sdelay $0x3  }
0x36: {  	p1 =	seq.s32 s10, $0x1;
	s10 =	sld [smem:$0x3FB4];
	_ =	sdelay $0x3  }
0x37: {  	[smem:$0x3FB4] =	sst s10  }
0x38: {  	s10 =	sld [smem:$0x3FB5]  }
0x39: {  	_ = 	snop;
	(pc) =	sbr.ind lr, $3  }
0x3a: {  	_ = 	snop  }
0x3b: {  	_ = 	snop  }
0x3c: {  	p2 =	seq.s32 s10, $0x1;
	s10 =	sld [smem:$0x3FB4]  }
0x3d: {  	_ =	shalt  }
0x3e: {  	_ =	shalt  }
0x3f: {  	_ =	shalt  }
0x40: {  	_ =	shalt  }
0x41: {  	_ =	shalt  }
0x42: {  	_ =	shalt  }
0x43: {  	_ =	shalt  }
0x44: {  	_ =	shalt  }
0x45: {  	_ =	shalt  }
0x46: {  	_ =	shalt  }
0x47: {  	_ =	shalt  }
0x48: {  	_ =	shalt  }
0x49: {  	_ =	shalt  }
0x4a: {  	_ =	shalt  }
0x4b: {  	_ =	shalt  }
0x4c: {  	_ =	shalt  }
0x4d: {  	_ =	shalt  }
0x4e: {  	_ =	shalt  }
0x4f: {  	_ =	shalt  }
0x50: {  	_ =	shalt  }
0x51: {  	_ =	shalt  }
0x52: {  	_ =	shalt  }
0x53: {  	_ =	shalt  }
0x54: {  	_ =	shalt  }
0x55: {  	_ =	shalt  }
0x56: {  	_ =	shalt  }
0x57: {  	_ =	shalt  }
0x58: {  	_ =	shalt  }
0x59: {  	_ =	shalt  }
0x5a: {  	_ =	shalt  }
0x5b: {  	_ =	shalt  }
0x5c: {  	_ =	shalt  }
0x5d: {  	_ =	shalt  }
0x5e: {  	_ =	shalt  }
0x5f: {  	_ =	shalt  }
0x60: {  	_ =	shalt  }
0x61: {  	_ =	shalt  }
0x62: {  	_ =	shalt  }
0x63: {  	_ =	shalt  }
0x64: {  	_ =	shalt  }
0x65: {  	_ =	shalt  }
0x66: {  	_ =	shalt  }
0x67: {  	_ =	shalt  }
0x68: {  	_ =	shalt  }
0x69: {  	_ =	shalt  }
0x6a: {  	_ =	shalt  }
0x6b: {  	_ =	shalt  }
0x6c: {  	_ =	shalt  }
0x6d: {  	_ =	shalt  }
0x6e: {  	_ =	shalt  }
0x6f: {  	_ =	shalt  }
0x70: {  	_ =	shalt  }
0x71: {  	_ =	shalt  }
0x72: {  	_ =	shalt  }
0x73: {  	_ =	shalt  }
0x74: {  	_ =	shalt  }
0x75: {  	_ =	shalt  }
0x76: {  	_ =	shalt  }
0x77: {  	_ =	shalt  }
0x78: {  	_ =	shalt  }
0x79: {  	_ =	shalt  }
0x7a: {  	_ =	shalt  }
0x7b: {  	_ =	shalt  }
0x7c: {  	_ =	shalt  }
0x7d: {  	_ =	shalt  }
0x7e: {  	_ =	shalt  }
0x7f: {  	_ =	shalt  }
0x80: {  	_ =	shalt  }
0x81: {  	_ =	shalt  }
0x82: {  	_ =	shalt  }
0x83: {  	_ =	shalt  }
0x84: {  	_ =	shalt  }
0x85: {  	_ =	shalt  }
0x86: {  	_ =	shalt  }
0x87: {  	_ =	shalt  }
.Lfunc_end0:
.L_simem_size_0:
called_computation_lowered:
.L_overlay_start_0:
0x88: {  	s2 =	sld [smem:$0x3FD9]  }
0x89: {  	s3 =	sld [smem:$0x3FFE];
	_ =	sdelay $0x1  }
0x8a: {  	s1 =	srdreg.scid  }
0x8b: {  	s0 =	sand.u32 $0x1, s1  }
0x8c: {  	s14 =	sshll.u32 s0, $0xA;
	s2 =	sadd.s32 s3, s2  }
0x8d: {  	s2 =	sadd.s32 s2, s14  }
0x8e: {  	[smem:$0x3FC0] =	sst s2  }
0x8f: {  	_ = 	snop  }
0x90: {  	s2 =	sld [smem:$0x3FD0];
	_ =	sdelay $0x2  }
0x91: {  	s15 =	simm.s32 $0xA;
	s4 =	simm.s32 $0x10  }
0x92: {  	[smem:s4], [sflag:s15] =	dma.local [hbm:s2], $0x1  }
0x93: {  	_ =	swait.eq [sflag:s15], $0x1  }
0x94: {  	[sflag:s15] =	ssyncset.done $0x0  }
0x95: {  	s16 =	sld [smem:$0x10];
	[sflag:s15] =	ssyncadd.s32 $0xFFFFFFFF  }
0x96: {  	s17 =	sld [smem:$0x11];
	(tm) =	ssettm $0x1  }
0x97: {  	s18 =	sld [smem:$0x3FFB];
	_ =	sdelay $0x3  }
0x98: {  	_ =	strace s18  }
0x99: {  	s4 =	sld [smem:$0x3FFC];
	_ =	sdelay $0x3  }
0x9a: {  	_ =	strace s4  }
0x9b: {  	s4 =	sld [smem:$0x3FFD];
	_ =	sdelay $0x3  }
0x9c: {  	_ =	strace s4  }
0x9d: {  	_ =	strace $0x8FFFFFFF  }
0x9e: {  	s19 =	sld [smem:$0x3FDB];
	_ =	sdelay $0x1  }
0x9f: {  	s5 =	simm.s32 $_scs_section_size  }
0xa0: {  	s6 =	simm.s32 $_size__tile_overlayer_lowered;
	s7 =	simm.s32 $_tile_overlayer_lowered  }
0xa1: {  	s22 =	simm.s32 $0x1BFF;
	s21 =	sshll.u32 s7, $0x1;
	s4 =	sadd.s32 s5, s19  }
0xa2: {  	s8 =	simm.s32 $0x0;
	s20 =	sshll.u32 s6, $0x1;
	s6 =	sadd.s32 s21, s4  }
0xa3: {  	[timem:s8], [sflag:s22] =	dma.local [hbm:s6], s20  }
0xa4: {  	_ =	swait.ge [sflag:s22], s20  }
0xa5: {  	s5 =	ssub.s32 $0x0, s20;
	[sflag:s22] =	ssyncset.done $0x0  }
0xa6: {  	[sflag:s22] =	ssyncadd.s32 s5;
	_ =	sdelay $0x1  }
0xa7: {  	s23 =	simm.s32 $0x1B8B  }
0xa8: {  	_ =	swait.ge [sflag:s23], $0x1  }
0xa9: {  	[sflag:s23] =	ssyncset.done $0x0  }
0xaa: {  	s25 =	simm.s32 $0x1B8E;
	s24 =	sld [smem:$0x3FFE];
	[sflag:s23] =	ssyncadd.s32 $0xFFFFFFFF  }
0xab: {  	s26 =	simm.s32 $execute0_lowered;
	[smem:$0x3FD2] =	sst s25  }
0xac: {  	s6 =	sshll.u32 s26, $0x1;
	_ =	strace $0x80000046;
	[dreg:$0x1] =	wrdreg $0xFFFFFFFF  }
0xad: {  	s28 =	simm.s32 $_size_execute0_lowered;
	s4 =	sadd.s32 s4, s6;
	[dreg:$0x0] =	wrdreg $0x0  }
0xae: {  	s6 =	sshll.u32 s28, $0x1;
	[dreg:$0x2] =	wrdreg s4  }
0xaf: {  	[dreg:$0x3] =	wrdreg s6  }
0xb0: {  	[dreg:$0x4] =	wrdreg $0xC0  }
0xb1: {  	_ =	task [dreg:s8], $0x5FFFF  }
0xb2: {  	[dreg:$0x1] =	wrdreg $0xFFFFFFFF  }
0xb3: {  	[dreg:$0x0] =	wrdreg $0x60  }
0xb4: {  	[dreg:$0x2] =	wrdreg s16  }
0xb5: {  	[dreg:$0x3] =	wrdreg s17  }
0xb6: {  	[dreg:$0x4] =	wrdreg s24  }
0xb7: {  	[dreg:$0x5] =	wrdreg $0x52000  }
0xb8: {  	[dreg:$0x6] =	wrdreg $0x9  }
0xb9: {  	_ =	task.clear_ibuf [dreg:s8], $0x7FFFF;
	_ =	strace $0x90000046  }
0xba: {  	s29 =	simm.s32 $0x9;
	_ =	strace $0x80000048  }
0xbb: {  	_ =	swait.ge [sflag:s29], $0x1  }
0xbc: {  	[sflag:s29] =	ssyncadd.s32 $0xFFFFFFFF  }
0xbd: {  	_ =	strace $0x90000048  }
0xbe: {  	_ =	sfence  }
0xbf: {  	s30 =	sld [smem:$0x0];
	_ =	sdelay $0x2  }
0xc0: {  	s31 =	sshll.u32 s1, $0xD;
	s1 =	sshrl.u32 s1, $0x2  }
0xc1: {  	s3 =	sand.u32 $0x4000, s31;
	s1 =	sadd.s32 s1, s30  }
0xc2: {  	s0 =	sor.u32 s3, s0;
	s1 =	sshll.u32 s1, $0x11  }
0xc3: {  	s0 =	sor.u32 s1, s0  }
0xc4: {  	s0 =	sadd.s32 $0x8F2B, s0  }
0xc5: {  	[sflag:s0] =	ssyncadd.remote.s32 $0x1  }
0xc6: {  	_ =	sfence.sel $0xFFFF  }
0xc7: {  	[dreg:$0x0] =	wrdreg $0xFFFFFFFF;
	(pc) =	sbr.abs _section_cstart, $3  }
0xc8: {  	[dreg:$0x1] =	wrdreg $0xFFFFFFFF  }
0xc9: {  	_ =	task.clear_ibuf [dreg:s8], $0x2FFFF;
	_ =	strace $0x9FFFFFFF  }
0xca: {  	(tm) =	ssettm $0x7FFFFFFF  }
0xcb: {  	_ =	shalt  }
tec
execute0_lowered:
.L_overlay_start_1:
0x0: {  	(tag) =	ssettag $0x1  }
0x1: {  	s1 =	rddreg [dreg:$0x0]  }
0x2: {  	s2 =	rddreg [dreg:$0x1]  }
0x3: {  	s0 =	rddreg [dreg:$0x2]  }
0x4: {  	s3 =	rddreg [dreg:$0x3];
	s4 =	srdreg.scid  }
0x5: {  	s5 =	simm.s32 $0x0;
	s17 =	stileid.u32;
	s31 =	simm.s32 $0x200  }
0x6: {  	s4 =	sand.u32 $0x1, s4;
	s8 =	sshll.u32 s17, $0x1;
	s9 =	smul.u32 $0x14000, s17  }
0x7: {  	s10 =	sadd.s32 $0x2A000, s0;
	[smem:$0x7FF] =	sst s5;
	s6 =	ssub.s32 $0x2, s4  }
0x8: {  	s7 =	sshrl.u32 s6, $0x1;
	s11 =	sor.u32 $0x2800, s9;
	s12 =	sadd.s32 $0x5000, s9  }
0x9: {  	s13 =	sadd.s32 $0x7800, s9;
	s15 =	sadd.s32 $0xA000, s9;
	s24 =	sadd.s32 $0xC800, s9  }
0xa: {  	s6 =	ssub.s32 s6, s7;
	s7 =	sor.u32 s4, s8;
	s8 =	smul.u32 $0x140000, s4  }
0xb: {  	s25 =	sadd.s32 $0xF000, s9;
	s26 =	sadd.s32 $0x11800, s9;
	s4 =	smul.u32 $0x2710, s4  }
0xc: {  	s7 =	smul.u32 $0x2710, s7;
	s9 =	sadd.s32 s8, s9;
	s14 =	sadd.s32 s8, s11  }
0xd: {  	s16 =	sadd.s32 s8, s12;
	s22 =	sadd.s32 s8, s13;
	s23 =	sadd.s32 s8, s15  }
0xe: {  	s28 =	sadd.s32 s8, s24;
	s24 =	sadd.s32 s24, s3;
	s9 =	sshrl.u32 s9, $0x3  }
0xf: {  	s19 =	sshrl.u32 s14, $0x3;
	s20 =	sshrl.u32 s16, $0x3;
	s9 =	sadd.s32 s10, s9  }
0x10: {  	s16 =	sshrl.u32 s28, $0x3;
	s21 =	sadd.s32 s10, s20;
	[dreg:$0x5] =	wrdreg s9  }
0x11: {  	s14 =	sshrl.u32 s23, $0x3;
	s18 =	sadd.s32 s10, s16;
	[dreg:$0x7] =	wrdreg s21  }
0x12: {  	s20 =	smul.u32 $0x4E20, s17;
	s9 =	sadd.s32 s10, s19;
	[dreg:$0xa] =	wrdreg s18  }
0x13: {  	s19 =	sadd.s32 s8, s25;
	s8 =	sadd.s32 s8, s26;
	s21 =	smul.u32 $0x50000, s17  }
0x14: {  	s25 =	sadd.s32 s25, s3;
	s26 =	sadd.s32 s26, s3;
	[dreg:$0x6] =	wrdreg s9  }
0x15: {  	s9 =	sshrl.u32 s22, $0x3;
	s8 =	sshrl.u32 s8, $0x3;
	s4 =	sadd.s32 s4, s20  }
0x16: {  	s22 =	sshrl.u32 s7, $0x3;
	s20 =	sadd.s32 s11, s3;
	s11 =	simm.s32 $0x2  }
0x17: {  	s9 =	sadd.s32 s10, s9;
	s8 =	sadd.s32 s10, s8;
	s7 =	sadd.s32 s1, s22  }
0x18: {  	s23 =	sshrl.u32 s21, $0x2;
	s21 =	sadd.s32 s12, s3;
	s28 =	sadd.s32 $0x50, s4  }
0x19: {  	s12 =	simm.s32 $0x0;
	[dreg:$0x8] =	wrdreg s9;
	s9 =	sadd.s32 s10, s14  }
0x1a: {  	[dreg:$0xc] =	wrdreg s8;
	s14 =	sadd.s32 $0x2E00, s0;
	s0 =	sadd.s32 $0x2800, s0  }
0x1b: {  	s18 =	sadd.s32 s23, s3;
	s23 =	sadd.s32 s15, s3;
	s15 =	sadd.s32 $0xA0, s4  }
0x1c: {  	s4 =	simm.s32 $0x100;
	[dreg:$0x9] =	wrdreg s9;
	s9 =	sshrl.u32 s19, $0x3  }
0x1d: {  	s8 =	simm.s32 $0x180;
	s19 =	smax.u32 s6, $0x1;
	s9 =	sadd.s32 s10, s9  }
0x1e: {  	s6 =	simm.s32 $0x50;
	s10 =	simm.s32 $0x2A00;
	[dreg:$0xb] =	wrdreg s9  }
0x1f: {  	s9 =	simm.s32 $0x1;
	_ =	strace $0x80000047;
	[dreg:$0xd] =	wrdreg s0  }
0x20: {  	[dreg:$0xe] =	wrdreg s7;
	s0 =	sadd.s32 s2, s22;
	s22 =	sadd.s32 s13, s3  }
0x21: {  	s7 =	simm.s32 $0x80;
	[dreg:$0xf] =	wrdreg s0;
	s0 =	sshrl.u32 s28, $0x3  }
0x22: {  	s29 =	sadd.s32 s0, s2;
	s30 =	sadd.s32 s0, s1;
	s0 =	simm.s32 $0x3  }
.LBB2_1:
0x23: {  	s13 =	rddreg [dreg:$0xd]  }
0x24: {  	[tilespmem:s31], [sflag:$0x3] =	stream.linear.gather [hbm4b:s13+s5], $0x2800, $0x38;
	[tilespmem:$0x19200] =	vst v63  }
0x25: {  	_ =	swait.ge [sflag:s0], $0x2800  }
0x26: {  	[sflag:s0] =	ssyncset.done $0x0  }
0x27: {  	[sflag:s0] =	ssyncadd.s32 $0xFFFFD800  }
0x28: {  	[spmem:s18] =	stream.linear.scatter [tilespmem:s31], [sflag:$0x3], $0x2800, $0x38;
	[tilespmem:$0x19200] =	vst v63  }
0x29: {  	_ =	swait.ge [sflag:s0], $0x2800  }
0x2a: {  	[sflag:s0] =	ssyncset.done $0x0  }
0x2b: {  	[sflag:s0] =	ssyncadd.s32 $0xFFFFD800  }
0x2c: {  	[spmem:s20] =	stream.linear.scatter [tilespmem:s31], [sflag:$0x3], $0x2800, $0x38;
	[tilespmem:$0x19200] =	vst v63  }
0x2d: {  	_ =	swait.ge [sflag:s0], $0x2800  }
0x2e: {  	[sflag:s0] =	ssyncset.done $0x0  }
0x2f: {  	[sflag:s0] =	ssyncadd.s32 $0xFFFFD800  }
0x30: {  	[spmem:s21] =	stream.linear.scatter [tilespmem:s31], [sflag:$0x3], $0x2800, $0x38;
	[tilespmem:$0x19200] =	vst v63  }
0x31: {  	_ =	swait.ge [sflag:s0], $0x2800  }
0x32: {  	[sflag:s0] =	ssyncset.done $0x0  }
0x33: {  	[sflag:s0] =	ssyncadd.s32 $0xFFFFD800  }
0x34: {  	[spmem:s22] =	stream.linear.scatter [tilespmem:s31], [sflag:$0x3], $0x2800, $0x38;
	[tilespmem:$0x19200] =	vst v63  }
0x35: {  	_ =	swait.ge [sflag:s0], $0x2800  }
0x36: {  	[sflag:s0] =	ssyncset.done $0x0  }
0x37: {  	[sflag:s0] =	ssyncadd.s32 $0xFFFFD800  }
0x38: {  	[spmem:s23] =	stream.linear.scatter [tilespmem:s31], [sflag:$0x3], $0x2800, $0x38;
	[tilespmem:$0x19200] =	vst v63  }
0x39: {  	_ =	swait.ge [sflag:s0], $0x2800  }
0x3a: {  	[sflag:s0] =	ssyncset.done $0x0  }
0x3b: {  	[sflag:s0] =	ssyncadd.s32 $0xFFFFD800  }
0x3c: {  	[spmem:s24] =	stream.linear.scatter [tilespmem:s31], [sflag:$0x3], $0x2800, $0x38;
	[tilespmem:$0x19200] =	vst v63  }
0x3d: {  	_ =	swait.ge [sflag:s0], $0x2800  }
0x3e: {  	[sflag:s0] =	ssyncset.done $0x0  }
0x3f: {  	[sflag:s0] =	ssyncadd.s32 $0xFFFFD800  }
0x40: {  	[spmem:s25] =	stream.linear.scatter [tilespmem:s31], [sflag:$0x3], $0x2800, $0x38;
	[tilespmem:$0x19200] =	vst v63  }
0x41: {  	_ =	swait.ge [sflag:s0], $0x2800  }
0x42: {  	[sflag:s0] =	ssyncset.done $0x0  }
0x43: {  	[sflag:s0] =	ssyncadd.s32 $0xFFFFD800  }
0x44: {  	[spmem:s26] =	stream.linear.scatter [tilespmem:s31], [sflag:$0x3], $0x2800, $0x38;
	[tilespmem:$0x19200] =	vst v63  }
0x45: {  	_ =	swait.ge [sflag:s0], $0x2800  }
0x46: {  	[sflag:s0] =	ssyncset.done $0x0  }
0x47: {  	[sflag:s0] =	ssyncadd.s32 $0xFFFFD800  }
0x48: {  	[bflag:$0x0] =	sbarrier.arrive $0xFFFF  }
0x49: {  	s17 =	rddreg [dreg:$0xe]  }
0x4a: {  	[tilespmem:s5], [sflag:$0x3] =	stream.linear.gather [hbm4b:s17+s5], $0x50, $0x38;
	[tilespmem:$0x19200] =	vst v63  }
0x4b: {  	_ =	swait.ge [sflag:s0], $0x50  }
0x4c: {  	[sflag:s0] =	ssyncset.done $0x0  }
0x4d: {  	s16 =	rddreg [dreg:$0xf];
	[sflag:s0] =	ssyncadd.s32 $0xFFFFFFB0  }
0x4e: {  	[tilespmem:s4], [sflag:$0x3] =	stream.linear.gather [hbm4b:s16+s5], $0x50, $0x38;
	[tilespmem:$0x19200] =	vst v63  }
0x4f: {  	_ =	swait.ge [sflag:s0], $0x50  }
0x50: {  	[sflag:s0] =	ssyncset.done $0x0  }
0x51: {  	[sflag:s0] =	ssyncadd.s32 $0xFFFFFFB0  }
0x52: {  	[tilespmem:s31], [sflag:$0x1] =	stream.indirect.gather [hbm4b:s14+s6], $0x80, s5, s6, $0xb8;
	[tilespmem:$0x19200] =	vst v63  }
0x53: {  	s17 =	sadd.s32 $0x0, s30  }
0x54: {  	[tilespmem:s7], [sflag:$0x3] =	stream.linear.gather [hbm4b:s17+s5], $0x50, $0x38;
	[tilespmem:$0x19200] =	vst v63  }
0x55: {  	_ =	swait.ge [sflag:s0], $0x50  }
0x56: {  	[sflag:s0] =	ssyncset.done $0x0  }
0x57: {  	s16 =	sadd.s32 $0x0, s29;
	[sflag:s0] =	ssyncadd.s32 $0xFFFFFFB0  }
0x58: {  	[tilespmem:s8], [sflag:$0x3] =	stream.linear.gather [hbm4b:s16+s5], $0x50, $0x38;
	[tilespmem:$0x19200] =	vst v63  }
0x59: {  	_ =	swait.ge [sflag:s0], $0x50  }
0x5a: {  	[sflag:s0] =	ssyncset.done $0x0  }
0x5b: {  	[sflag:s0] =	ssyncadd.s32 $0xFFFFFFB0  }
0x5c: {  	_ =	swait.ge [sflag:s9], $0x2800  }
0x5d: {  	[sflag:s9] =	ssyncset.done $0x0  }
0x5e: {  	[sflag:s9] =	ssyncadd.s32 $0xFFFFD800  }
0x5f: {  	[tilespmem:s10], [sflag:$0x2] =	stream.indirect.gather [hbm4b:s14+s6], $0x80, s7, s6, $0xb8;
	[tilespmem:$0x19200] =	vst v63  }
0x60: {  	_ = 	snop  }
0x61: {  	[spmem:s3] =	stream.indirect.scatter.add.f32 [tilespmem:s31], [sflag:$0x3], $0x80, s4, s6, $0xb8;
	[tilespmem:$0x19200] =	vst v63  }
0x62: {  	_ =	swait.ge [sflag:s0], $0x2800  }
0x63: {  	s17 =	sshrl.u32 s15, $0x3;
	[sflag:s0] =	ssyncset.done $0x0  }
0x64: {  	s28 =	sadd.s32 s1, s17;
	[sflag:s0] =	ssyncadd.s32 $0xFFFFD800  }
0x65: {  	[tilespmem:s5], [sflag:$0x3] =	stream.linear.gather [hbm4b:s28+s5], $0x50, $0x38;
	[tilespmem:$0x19200] =	vst v63  }
0x66: {  	_ =	swait.ge [sflag:s0], $0x50  }
0x67: {  	[sflag:s0] =	ssyncset.done $0x0  }
0x68: {  	s13 =	sadd.s32 s2, s17;
	[sflag:s0] =	ssyncadd.s32 $0xFFFFFFB0  }
0x69: {  	[tilespmem:s4], [sflag:$0x3] =	stream.linear.gather [hbm4b:s13+s5], $0x50, $0x38;
	[tilespmem:$0x19200] =	vst v63  }
0x6a: {  	_ =	swait.ge [sflag:s0], $0x50  }
0x6b: {  	[sflag:s0] =	ssyncset.done $0x0  }
0x6c: {  	[sflag:s0] =	ssyncadd.s32 $0xFFFFFFB0  }
0x6d: {  	_ =	swait.ge [sflag:s11], $0x2800  }
0x6e: {  	[sflag:s11] =	ssyncset.done $0x0  }
0x6f: {  	[sflag:s11] =	ssyncadd.s32 $0xFFFFD800  }
0x70: {  	[tilespmem:s31], [sflag:$0x1] =	stream.indirect.gather [hbm4b:s14+s6], $0x80, s5, s6, $0xb8;
	[tilespmem:$0x19200] =	vst v63  }
0x71: {  	_ = 	snop  }
0x72: {  	[spmem:s3] =	stream.indirect.scatter.add.f32 [tilespmem:s10], [sflag:$0x3], $0x80, s8, s6, $0xb8;
	[tilespmem:$0x19200] =	vst v63  }
0x73: {  	_ =	swait.ge [sflag:s0], $0x2800  }
0x74: {  	s28 =	smov.u32 s15;
	s13 =	simm.s32 $0x14;
	[sflag:s0] =	ssyncset.done $0x0  }
.LBB2_2:
0x75: {  	p0 =	sne.s32 s13, $0x4C4;
	[sflag:s0] =	ssyncadd.s32 $0xFFFFD800;
	s28 =	sadd.s32 $0xA0, s28  }
0x76: {  	s16 =	sadd.s32 s13, s30;
	s17 =	smov.u32 s13;
	s13 =	sadd.s32 $0x14, s13  }
0x77: {  	[tilespmem:s7], [sflag:$0x3] =	stream.linear.gather [hbm4b:s16+s5], $0x50, $0x38;
	[tilespmem:$0x19200] =	vst v63  }
0x78: {  	_ =	swait.ge [sflag:s0], $0x50  }
0x79: {  	[sflag:s0] =	ssyncset.done $0x0  }
0x7a: {  	s16 =	sadd.s32 s17, s29;
	[sflag:s0] =	ssyncadd.s32 $0xFFFFFFB0  }
0x7b: {  	[tilespmem:s8], [sflag:$0x3] =	stream.linear.gather [hbm4b:s16+s5], $0x50, $0x38;
	[tilespmem:$0x19200] =	vst v63  }
0x7c: {  	_ =	swait.ge [sflag:s0], $0x50  }
0x7d: {  	[sflag:s0] =	ssyncset.done $0x0  }
0x7e: {  	[sflag:s0] =	ssyncadd.s32 $0xFFFFFFB0  }
0x7f: {  	_ =	swait.ge [sflag:s9], $0x2800  }
0x80: {  	[sflag:s9] =	ssyncset.done $0x0  }
0x81: {  	[sflag:s9] =	ssyncadd.s32 $0xFFFFD800  }
0x82: {  	[tilespmem:s10], [sflag:$0x2] =	stream.indirect.gather [hbm4b:s14+s6], $0x80, s7, s6, $0xb8;
	[tilespmem:$0x19200] =	vst v63  }
0x83: {  	_ = 	snop  }
0x84: {  	[spmem:s3] =	stream.indirect.scatter.add.f32 [tilespmem:s31], [sflag:$0x3], $0x80, s4, s6, $0xb8;
	[tilespmem:$0x19200] =	vst v63  }
0x85: {  	_ =	swait.ge [sflag:s0], $0x2800  }
0x86: {  	s16 =	sshrl.u32 s28, $0x3;
	[sflag:s0] =	ssyncset.done $0x0  }
0x87: {  	s17 =	sadd.s32 s1, s16;
	[sflag:s0] =	ssyncadd.s32 $0xFFFFD800  }
0x88: {  	[tilespmem:s5], [sflag:$0x3] =	stream.linear.gather [hbm4b:s17+s5], $0x50, $0x38;
	[tilespmem:$0x19200] =	vst v63  }
0x89: {  	_ =	swait.ge [sflag:s0], $0x50  }
0x8a: {  	[sflag:s0] =	ssyncset.done $0x0  }
0x8b: {  	s16 =	sadd.s32 s2, s16;
	[sflag:s0] =	ssyncadd.s32 $0xFFFFFFB0  }
0x8c: {  	[tilespmem:s4], [sflag:$0x3] =	stream.linear.gather [hbm4b:s16+s5], $0x50, $0x38;
	[tilespmem:$0x19200] =	vst v63  }
0x8d: {  	_ =	swait.ge [sflag:s0], $0x50  }
0x8e: {  	[sflag:s0] =	ssyncset.done $0x0  }
0x8f: {  	[sflag:s0] =	ssyncadd.s32 $0xFFFFFFB0  }
0x90: {  	_ =	swait.ge [sflag:s11], $0x2800  }
0x91: {  	[sflag:s11] =	ssyncset.done $0x0  }
0x92: {  	[sflag:s11] =	ssyncadd.s32 $0xFFFFD800  }
0x93: {  	[tilespmem:s31], [sflag:$0x1] =	stream.indirect.gather [hbm4b:s14+s6], $0x80, s5, s6, $0xb8;
	[tilespmem:$0x19200] =	vst v63  }
.Ltmp0:
0x94: {  	_ = 	snop;
	(pc) =	sbr.rel @p0 .LBB2_2-.Ltmp0, $4  }
0x95: {  	_ = 	snop  }
0x96: {  	[spmem:s3] =	stream.indirect.scatter.add.f32 [tilespmem:s10], [sflag:$0x3], $0x80, s8, s6, $0xb8;
	[tilespmem:$0x19200] =	vst v63  }
0x97: {  	_ =	swait.ge [sflag:s0], $0x2800  }
0x98: {  	[sflag:s0] =	ssyncset.done $0x0  }
0x99: {  	[sflag:s0] =	ssyncadd.s32 $0xFFFFD800  }
0x9a: {  	_ =	swait.ge [sflag:s9], $0x2800  }
0x9b: {  	[sflag:s9] =	ssyncset.done $0x0  }
0x9c: {  	[sflag:s9] =	ssyncadd.s32 $0xFFFFD800  }
0x9d: {  	[spmem:s3] =	stream.indirect.scatter.add.f32 [tilespmem:s31], [sflag:$0x3], $0x80, s4, s6, $0xb8;
	[tilespmem:$0x19200] =	vst v63  }
0x9e: {  	_ =	swait.ge [sflag:s0], $0x2800  }
0x9f: {  	[sflag:s0] =	ssyncset.done $0x0  }
0xa0: {  	[sflag:s0] =	ssyncadd.s32 $0xFFFFD800  }
0xa1: {  	[bflag:$0x0] =	sbarrier.arrive $0xFFFF  }
0xa2: {  	[tilespmem:s31], [sflag:$0x3] =	stream.linear.gather [spmem:s18], $0x2800, $0x38;
	[tilespmem:$0x19200] =	vst v63  }
0xa3: {  	_ =	swait.ge [sflag:s0], $0x2800  }
0xa4: {  	[sflag:s0] =	ssyncset.done $0x0  }
0xa5: {  	s13 =	rddreg [dreg:$0x5];
	[sflag:s0] =	ssyncadd.s32 $0xFFFFD800  }
0xa6: {  	[hbm4b:s13+s5] =	stream.linear.scatter [tilespmem:s31], [sflag:$0x3], $0x2800, $0x38;
	[tilespmem:$0x19200] =	vst v63  }
0xa7: {  	_ =	swait.ge [sflag:s0], $0x2800  }
0xa8: {  	[sflag:s0] =	ssyncset.done $0x0  }
0xa9: {  	[sflag:s0] =	ssyncadd.s32 $0xFFFFD800  }
0xaa: {  	[tilespmem:s31], [sflag:$0x3] =	stream.linear.gather [spmem:s20], $0x2800, $0x38;
	[tilespmem:$0x19200] =	vst v63  }
0xab: {  	_ =	swait.ge [sflag:s0], $0x2800  }
0xac: {  	[sflag:s0] =	ssyncset.done $0x0  }
0xad: {  	s28 =	rddreg [dreg:$0x6];
	[sflag:s0] =	ssyncadd.s32 $0xFFFFD800  }
0xae: {  	[hbm4b:s28+s5] =	stream.linear.scatter [tilespmem:s31], [sflag:$0x3], $0x2800, $0x38;
	[tilespmem:$0x19200] =	vst v63  }
0xaf: {  	_ =	swait.ge [sflag:s0], $0x2800  }
0xb0: {  	[sflag:s0] =	ssyncset.done $0x0  }
0xb1: {  	[sflag:s0] =	ssyncadd.s32 $0xFFFFD800  }
0xb2: {  	[tilespmem:s31], [sflag:$0x3] =	stream.linear.gather [spmem:s21], $0x2800, $0x38;
	[tilespmem:$0x19200] =	vst v63  }
0xb3: {  	_ =	swait.ge [sflag:s0], $0x2800  }
0xb4: {  	[sflag:s0] =	ssyncset.done $0x0  }
0xb5: {  	s16 =	rddreg [dreg:$0x7];
	[sflag:s0] =	ssyncadd.s32 $0xFFFFD800  }
0xb6: {  	[hbm4b:s16+s5] =	stream.linear.scatter [tilespmem:s31], [sflag:$0x3], $0x2800, $0x38;
	[tilespmem:$0x19200] =	vst v63  }
0xb7: {  	_ =	swait.ge [sflag:s0], $0x2800  }
0xb8: {  	[sflag:s0] =	ssyncset.done $0x0  }
0xb9: {  	[sflag:s0] =	ssyncadd.s32 $0xFFFFD800  }
0xba: {  	[tilespmem:s31], [sflag:$0x3] =	stream.linear.gather [spmem:s22], $0x2800, $0x38;
	[tilespmem:$0x19200] =	vst v63  }
0xbb: {  	_ =	swait.ge [sflag:s0], $0x2800  }
0xbc: {  	[sflag:s0] =	ssyncset.done $0x0  }
0xbd: {  	s17 =	rddreg [dreg:$0x8];
	[sflag:s0] =	ssyncadd.s32 $0xFFFFD800  }
0xbe: {  	[hbm4b:s17+s5] =	stream.linear.scatter [tilespmem:s31], [sflag:$0x3], $0x2800, $0x38;
	[tilespmem:$0x19200] =	vst v63  }
0xbf: {  	_ =	swait.ge [sflag:s0], $0x2800  }
0xc0: {  	[sflag:s0] =	ssyncset.done $0x0  }
0xc1: {  	[sflag:s0] =	ssyncadd.s32 $0xFFFFD800  }
0xc2: {  	[tilespmem:s31], [sflag:$0x3] =	stream.linear.gather [spmem:s23], $0x2800, $0x38;
	[tilespmem:$0x19200] =	vst v63  }
0xc3: {  	_ =	swait.ge [sflag:s0], $0x2800  }
0xc4: {  	[sflag:s0] =	ssyncset.done $0x0  }
0xc5: {  	s28 =	rddreg [dreg:$0x9];
	[sflag:s0] =	ssyncadd.s32 $0xFFFFD800  }
0xc6: {  	[hbm4b:s28+s5] =	stream.linear.scatter [tilespmem:s31], [sflag:$0x3], $0x2800, $0x38;
	[tilespmem:$0x19200] =	vst v63  }
0xc7: {  	_ =	swait.ge [sflag:s0], $0x2800  }
0xc8: {  	[sflag:s0] =	ssyncset.done $0x0  }
0xc9: {  	[sflag:s0] =	ssyncadd.s32 $0xFFFFD800  }
0xca: {  	[tilespmem:s31], [sflag:$0x3] =	stream.linear.gather [spmem:s24], $0x2800, $0x38;
	[tilespmem:$0x19200] =	vst v63  }
0xcb: {  	_ =	swait.ge [sflag:s0], $0x2800  }
0xcc: {  	[sflag:s0] =	ssyncset.done $0x0  }
0xcd: {  	s16 =	rddreg [dreg:$0xa];
	[sflag:s0] =	ssyncadd.s32 $0xFFFFD800  }
0xce: {  	[hbm4b:s16+s5] =	stream.linear.scatter [tilespmem:s31], [sflag:$0x3], $0x2800, $0x38;
	[tilespmem:$0x19200] =	vst v63  }
0xcf: {  	_ =	swait.ge [sflag:s0], $0x2800  }
0xd0: {  	[sflag:s0] =	ssyncset.done $0x0  }
0xd1: {  	[sflag:s0] =	ssyncadd.s32 $0xFFFFD800  }
0xd2: {  	[tilespmem:s31], [sflag:$0x3] =	stream.linear.gather [spmem:s25], $0x2800, $0x38;
	[tilespmem:$0x19200] =	vst v63  }
0xd3: {  	_ =	swait.ge [sflag:s0], $0x2800  }
0xd4: {  	[sflag:s0] =	ssyncset.done $0x0  }
0xd5: {  	s17 =	rddreg [dreg:$0xb];
	[sflag:s0] =	ssyncadd.s32 $0xFFFFD800  }
0xd6: {  	[hbm4b:s17+s5] =	stream.linear.scatter [tilespmem:s31], [sflag:$0x3], $0x2800, $0x38;
	[tilespmem:$0x19200] =	vst v63  }
0xd7: {  	_ =	swait.ge [sflag:s0], $0x2800  }
0xd8: {  	[sflag:s0] =	ssyncset.done $0x0  }
0xd9: {  	[sflag:s0] =	ssyncadd.s32 $0xFFFFD800  }
0xda: {  	[tilespmem:s31], [sflag:$0x3] =	stream.linear.gather [spmem:s26], $0x2800, $0x38;
	[tilespmem:$0x19200] =	vst v63  }
0xdb: {  	s12 =	sadd.s32 $0x1, s12;
	_ =	swait.ge [sflag:s0], $0x2800  }
0xdc: {  	p0 =	sne.s32 s12, s19;
	[sflag:s0] =	ssyncset.done $0x0  }
.Ltmp1:
0xdd: {  	s28 =	rddreg [dreg:$0xc];
	[sflag:s0] =	ssyncadd.s32 $0xFFFFD800;
	(pc) =	sbr.rel @p0 .LBB2_1-.Ltmp1, $4  }
0xde: {  	[hbm4b:s28+s5] =	stream.linear.scatter [tilespmem:s31], [sflag:$0x3], $0x2800, $0x38;
	[tilespmem:$0x19200] =	vst v63  }
0xdf: {  	_ =	swait.ge [sflag:s0], $0x2800  }
0xe0: {  	[sflag:s0] =	ssyncset.done $0x0  }
0xe1: {  	[sflag:s0] =	ssyncadd.s32 $0xFFFFD800  }
0xe2: {  	_ =	sfence.sel $0x180000  }
0xe3: {  	[bflag:$0x0] =	sbarrier.arrive $0xFFFF  }
0xe4: {  	_ =	strace $0x90000047  }
0xe5: {  	s0 =	stileid.u32;
	[bflag:$0x2] =	sbarrier.arrive $0xFFFF  }
0xe6: {  	p0 =	sne.s32 s0, $0x0;
	s0 =	rddreg [dreg:$0x4]  }
0xe7: {  	s0 =	sadd.s32 @!p0 $0x100000, s0  }
0xe8: {  	[sflag:s0] =	ssyncadd.tile.s32 @!p0 $0x1;
	_ =	shalt  }
.Lfunc_end2:
_tile_overlayer_lowered:
.L_overlay_start_2:
0xe9: {  	(tag) =	ssettag $0x2  }
0xea: {  	s0 =	rddreg [dreg:$0x0];
	s2 =	stileid.u32  }
0xeb: {  	s1 =	rddreg [dreg:$0x1];
	p0 =	sne.s32 s2, $0x0  }
0xec: {  	s3 =	rddreg [dreg:$0x2];
	[bflag:$0x3] =	sbarrier.arrive $0xFFFF;
	s2 =	simm.s32 @!p0 $0x1C03  }
0xed: {  	[timem:s3], [sflag:s2] =	dma.local @!p0 [hbm:s0], s1  }
0xee: {  	s0 =	simm.s32 @!p0 $0x3  }
0xef: {  	_ =	swait.ge @!p0 [sflag:s0], s1  }
0xf0: {  	s1 =	ssub.s32 @!p0 $0x0, s1;
	[sflag:s0] =	ssyncset.done @!p0 $0x0  }
0xf1: {  	[sflag:s0] =	ssyncadd.s32 @!p0 s1  }
0xf2: {  	[bflag:$0x3] =	sbarrier.arrive $0xFFFF  }
0xf3: {  	_ =	shalt  }

</sc_bundles>
